<compile_context>
chip_gen: v7x
topology: tpu7x:2x2x1
jax: 0.10.2.dev20260603
libtpu: 0.0.44.dev20260713+nightly
codegen_flags: <defaults>
</compile_context>

<pallas_src>
import functools

import jax
import jax.numpy as jnp
from jax import lax
from jax.experimental import pallas as pl
from jax.experimental.pallas import tpu as pltpu
from jax.experimental.pallas import tpu_sc as plsc

_K = 16
_W = 1.0
_BIG = 3.0e38
_NEG_BIG = -3.0e38
_L = 128

_R1 = 512
_C1 = 2048
_R2 = 1024

_HI = (((1,), (0,)), ((), ()))


def _extract(jm, cg3):
  cga, cgb, cgc = cg3
  r = jm.shape[0]
  g = cga.shape[0]
  hi = jm >> 7
  lo = jm & (_L - 1)
  oh_hi = (lax.broadcasted_iota(jnp.int32, (r, g), 1) == hi)
  ohb = oh_hi.astype(jnp.bfloat16)
  da = lax.dot_general(ohb, cga, _HI, preferred_element_type=jnp.float32)
  db = lax.dot_general(ohb, cgb, _HI, preferred_element_type=jnp.float32)
  dc = lax.dot_general(ohb, cgc, _HI, preferred_element_type=jnp.float32)
  grp = (da + db) + dc
  oh_lo = lax.broadcasted_iota(jnp.int32, (r, _L), 1) == lo
  outs = []
  for c in range(3):
    sl = grp[:, c * _L:(c + 1) * _L]
    outs.append(jnp.max(jnp.where(oh_lo, sl, _NEG_BIG), axis=1, keepdims=True))
  return jnp.concatenate(outs, axis=1)


def _chamfer_body(nc, p_ref, ct_ref, out_ref):
  p = p_ref[0]
  px, py, pz = p[:, 0:1], p[:, 1:2], p[:, 2:3]
  sq_p = px * px + py * py + pz * pz

  run_min = jnp.full((_R1, 1), _BIG, jnp.float32)
  run_jm = jnp.zeros((_R1, 1), jnp.int32)
  iota = lax.broadcasted_iota(jnp.int32, (_R1, _C1), 1)

  for c0 in range(0, nc, _C1):
    ct = ct_ref[0, :, pl.ds(c0, _C1)]
    cx, cy, cz = ct[0:1, :], ct[1:2, :], ct[2:3, :]
    sq_c = cx * cx + cy * cy + cz * cz
    cross = lax.dot_general(p, ct, _HI)
    d = sq_p + sq_c - 2.0 * cross
    m = jnp.min(d, axis=1, keepdims=True)
    jm = jnp.min(jnp.where(d == m, iota, _C1), axis=1, keepdims=True)
    upd = m < run_min
    run_min = jnp.where(upd, m, run_min)
    run_jm = jnp.where(upd, jm + c0, run_jm)

  out_ref[0] = run_jm


def _knn_loss_body(n, p_ref, pt_ref, pga_ref, pgb_ref, pgc_ref,
                   m_ref, mt_ref, mga_ref, mgb_ref, mgc_ref, out_ref):
  b = pl.program_id(0)
  i = pl.program_id(1)

  negs, rows_c, cgs = [], [], []
  for full_ref, t_ref, ga_ref, gb_ref, gc_ref in (
      (p_ref, pt_ref, pga_ref, pgb_ref, pgc_ref),
      (m_ref, mt_ref, mga_ref, mgb_ref, mgc_ref)):
    t = t_ref[0]
    rows = full_ref[0, pl.ds(i * _R2, _R2), :]
    cx, cy, cz = t[0:1, :], t[1:2, :], t[2:3, :]
    rx, ry, rz = rows[:, 0:1], rows[:, 1:2], rows[:, 2:3]
    sq_r = rx * rx + ry * ry + rz * rz
    sq_c = cx * cx + cy * cy + cz * cz
    cross = lax.dot_general(rows, t, _HI)
    negs.append(2.0 * cross - sq_r - sq_c)
    rows_c.append(rows)
    cgs.append((ga_ref[0], gb_ref[0], gc_ref[0]))

  iota = lax.broadcasted_iota(jnp.int32, (_R2, n), 1)
  lane = lax.broadcasted_iota(jnp.int32, (_R2, _L), 1)

  def step(neg, s):
    m = jnp.full((_R2, _L), _NEG_BIG, jnp.float32)
    vidx = jnp.zeros((_R2, _L), jnp.int32)
    for v in range(n // _L):
      x_v = neg[:, v * _L:(v + 1) * _L]
      gt = x_v > m
      vidx = jnp.where(gt, v, vidx)
      m = jnp.maximum(x_v, m)
    mx = jnp.max(m, axis=1, keepdims=True)
    cand = vidx * _L + lane
    jm = jnp.min(jnp.where(m == mx, cand, n), axis=1, keepdims=True)
    rel = _extract(jm, cgs[s]) - rows_c[s]
    return jnp.where(iota == jm, _NEG_BIG, neg), rel

  def body(_, carry):
    neg0, neg1, accv = carry
    neg0, rel0 = step(neg0, 0)
    neg1, rel1 = step(neg1, 1)
    dif = rel1 - rel0
    return neg0, neg1, accv + jnp.sum(dif * dif, axis=1, keepdims=True)

  accv0 = jnp.zeros((_R2, 1), jnp.float32)
  _, _, accv = lax.fori_loop(0, _K, body, (negs[0], negs[1], accv0))

  @pl.when(jnp.logical_and(b == 0, i == 0))
  def _():
    out_ref[0, 0] = jnp.float32(0.0)

  out_ref[0, 0] += jnp.sum(accv)


def _grouped(points):
  B, N, _ = points.shape
  g = N // _L
  cg = jnp.transpose(points.reshape(B, g, _L, 3), (0, 1, 3, 2)).reshape(
      B, g, 3 * _L)

  def trunc_bf16(x):
    t = lax.bitcast_convert_type(
        lax.bitcast_convert_type(x, jnp.uint32) & jnp.uint32(0xFFFF0000),
        jnp.float32)
    return t, t.astype(jnp.bfloat16)

  af, a = trunc_bf16(cg)
  r = cg - af
  bf, b = trunc_bf16(r)
  c = (r - bf).astype(jnp.bfloat16)
  return a, b, c


def _sc_gather(table, idx_flat, nrows):
  info = plsc.get_sparse_core_info()
  nw = info.num_cores * info.num_subcores
  per_w = nrows // nw
  mesh = plsc.VectorSubcoreMesh(core_axis_name="c", subcore_axis_name="s")

  @functools.partial(
      pl.kernel, mesh=mesh,
      out_type=jax.ShapeDtypeStruct((nrows, 128), jnp.float32),
      scratch_types=[
          pltpu.VMEM((per_w,), jnp.int32),
          pltpu.VMEM((per_w, 128), jnp.float32),
          pltpu.SemaphoreType.DMA,
      ],
  )
  def gather_k(table_hbm, idx_hbm, out_hbm, idx_v, rows_v, sem):
    wid = lax.axis_index("s") * info.num_cores + lax.axis_index("c")
    base = wid * per_w
    pltpu.sync_copy(idx_hbm.at[pl.ds(base, per_w)], idx_v)
    pltpu.async_copy(table_hbm.at[idx_v], rows_v, sem).wait()
    pltpu.sync_copy(rows_v, out_hbm.at[pl.ds(base, per_w)])

  return gather_k(table, idx_flat)


def kernel(completed, partial):
  B, Nc, _ = completed.shape
  _, Np, _ = partial.shape

  ct = jnp.swapaxes(completed, 1, 2)

  idx = pl.pallas_call(
      functools.partial(_chamfer_body, Nc),
      grid=(B, Np // _R1),
      in_specs=[
          pl.BlockSpec((1, _R1, 3), lambda b, i: (b, i, 0)),
          pl.BlockSpec((1, 3, Nc), lambda b, i: (b, 0, 0)),
      ],
      out_specs=pl.BlockSpec((1, _R1, 1), lambda b, i: (b, i, 0)),
      out_shape=jax.ShapeDtypeStruct((B, Np, 1), jnp.int32),
  )(partial, ct)

  table = jnp.pad(completed, ((0, 0), (0, 0), (0, 125))).reshape(B * Nc, 128)
  off = (jnp.arange(B, dtype=jnp.int32) * Nc)[:, None]
  idx_flat = (idx[:, :, 0] + off).reshape(B * Np)
  rows_out = _sc_gather(table, idx_flat, B * Np)
  matched = rows_out[:, 0:3].reshape(B, Np, 3)

  pt = jnp.swapaxes(partial, 1, 2)
  mt = jnp.swapaxes(matched, 1, 2)
  pga, pgb, pgc = _grouped(partial)
  mga, mgb, mgc = _grouped(matched)

  loss_sum = pl.pallas_call(
      functools.partial(_knn_loss_body, Np),
      grid=(B, Np // _R2),
      in_specs=[
          pl.BlockSpec((1, Np, 3), lambda b, i: (b, 0, 0)),
          pl.BlockSpec((1, 3, Np), lambda b, i: (b, 0, 0)),
          pl.BlockSpec((1, Np // _L, 3 * _L), lambda b, i: (b, 0, 0)),
          pl.BlockSpec((1, Np // _L, 3 * _L), lambda b, i: (b, 0, 0)),
          pl.BlockSpec((1, Np // _L, 3 * _L), lambda b, i: (b, 0, 0)),
          pl.BlockSpec((1, Np, 3), lambda b, i: (b, 0, 0)),
          pl.BlockSpec((1, 3, Np), lambda b, i: (b, 0, 0)),
          pl.BlockSpec((1, Np // _L, 3 * _L), lambda b, i: (b, 0, 0)),
          pl.BlockSpec((1, Np // _L, 3 * _L), lambda b, i: (b, 0, 0)),
          pl.BlockSpec((1, Np // _L, 3 * _L), lambda b, i: (b, 0, 0)),
      ],
      out_specs=pl.BlockSpec(memory_space=pltpu.SMEM),
      out_shape=jax.ShapeDtypeStruct((1, 1), jnp.float32),
  )(partial, pt, pga, pgb, pgc, matched, mt, mga, mgb, mgc)

  denom = B * Np * _K * 3
  return (_W / denom) * loss_sum[0, 0]

# --- scband reference (transcript-rebuilt; emitter-appended) ---
"""Pipeline reference for scband-consistency-loss-64991445123088 (READ-ONLY COPY).

The authoritative reference and input builder live on the scoring server;
editing this copy changes nothing except your own understanding.
"""

import jax, jax.numpy as jnp
import numpy as np

K_NEIGHBORS = 16
WEIGHT = 1.0


def setup_inputs(seed: int = 0) -> dict:
    key = jax.random.key(seed)
    k1, k2 = jax.random.split(key)
    completed = jax.random.normal(k1, (2, 8192, 3), dtype=jnp.float32)
    partial = jax.random.normal(k2, (2, 2048, 3), dtype=jnp.float32)
    return {"completed": completed, "partial": partial}


def _knn_idx(points, k):
    # points: (B, N, 3). Standard DGCNN-style knn: top-k of negative squared distance.
    inner = jnp.matmul(points, jnp.swapaxes(points, 1, 2))  # (B, N, N)
    sq = jnp.sum(points * points, axis=-1)  # (B, N)
    neg_pairwise = 2.0 * inner - sq[:, :, None] - sq[:, None, :]  # -||xi - xj||^2
    _, idx = jax.lax.top_k(neg_pairwise, k)  # (B, N, k)
    return idx


def _compute_local_geometry(points, k):
    # points: (B, N, 3) -> features (B, N, k*3)
    idx = _knn_idx(points, k)
    neighbors = jax.vmap(lambda p, i: p[i])(points, idx)  # gather: (B, N, k, 3)
    center = points[:, :, None, :]
    relative_pos = neighbors - center
    B, N = points.shape[0], points.shape[1]
    return relative_pos.reshape(B, N, k * 3)


def reference(completed, partial):
    # Chamfer nearest-neighbor from partial -> completed (dist, idx), as in chamfer_3DDist
    sq_p = jnp.sum(partial * partial, axis=-1)  # (B, Np)
    sq_c = jnp.sum(completed * completed, axis=-1)  # (B, Nc)
    cross = jnp.matmul(partial, jnp.swapaxes(completed, 1, 2))  # (B, Np, Nc)
    d = sq_p[:, :, None] + sq_c[:, None, :] - 2.0 * cross  # squared distances
    idx = jnp.argmin(d, axis=-1)  # (B, Np) int indices into completed
    matched_points = jax.vmap(lambda c, i: c[i])(completed, idx)  # (B, Np, 3)
    partial_features = _compute_local_geometry(partial, K_NEIGHBORS)
    matched_features = _compute_local_geometry(matched_points, K_NEIGHBORS)
    loss = jnp.mean((matched_features - partial_features) ** 2)
    return WEIGHT * loss

if __name__ == "__main__":
    import jax
    _d = setup_inputs()
    print(jax.jit(kernel)(*tuple(_d.values())))

</pallas_src>

<mosaic_0001>
#map = affine_map<(d0, d1) -> (0, 0)>
#map1 = affine_map<(d0, d1) -> (0)>
module attributes {stable_mosaic.version = 14 : i64} {
  func.func @gather_k(%arg0: i32, %arg1: i32, %arg2: memref<16384x128xf32, #tpu.memory_space<hbm>>, %arg3: memref<4096xi32, #tpu.memory_space<hbm>>, %arg4: memref<4096x128xf32, #tpu.memory_space<hbm>>, %arg5: memref<128xi32, #tpu.memory_space<vmem>>, %arg6: memref<128x128xf32, #tpu.memory_space<vmem>>, %arg7: memref<!tpu.dma_semaphore, #tpu.memory_space<semaphore_mem>>) attributes {dimension_semantics = [#tpu.dimension_semantics<core_parallel>, #tpu.dimension_semantics<subcore_parallel>], iteration_bounds = array<i64: 2, 16>, scalar_prefetch = 0 : i64, scratch_operands = 3 : i64, tpu.core_type = #tpu.core_type<sc_vector_subcore>, window_params = [{transform_indices = #map}, {transform_indices = #map1}, {transform_indices = #map}]} {
    %mul3A = arith.constant 2 : i32
    %mul3A_0 = arith.muli %arg1, %mul3A : i32
    %add3A = arith.addi %mul3A_0, %arg0 : i32
    %mul3A_1 = arith.constant 128 : i32
    %mul3A_2 = arith.muli %add3A, %mul3A_1 : i32
    "tpu.region"() ({
      %run_scoped3A = tpu.sem_alloc : memref<!tpu.dma_semaphore, #tpu.memory_space<semaphore_mem>>
      %dma_start3A_7 = tpu.memref_slice %arg3[%mul3A_2] : memref<4096xi32, #tpu.memory_space<hbm>> -> memref<128xi32, #tpu.memory_space<hbm>>
      %dma_start3A_8 = tpu.memref_slice %arg3[%mul3A_2] : memref<4096xi32, #tpu.memory_space<hbm>> -> memref<128xi32, #tpu.memory_space<hbm>>
      tpu.enqueue_dma source(%dma_start3A_8 : memref<128xi32, #tpu.memory_space<hbm>>) target(%arg5 : memref<128xi32, #tpu.memory_space<vmem>>) target_semaphore(%run_scoped3A : memref<!tpu.dma_semaphore, #tpu.memory_space<semaphore_mem>>)
      %dma_wait3A_9 = tpu.memref_slice %arg3[%mul3A_2] : memref<4096xi32, #tpu.memory_space<hbm>> -> memref<128xi32, #tpu.memory_space<hbm>>
      %dma_wait3A_10 = tpu.memref_slice %arg3[%mul3A_2] : memref<4096xi32, #tpu.memory_space<hbm>> -> memref<128xi32, #tpu.memory_space<hbm>>
      tpu.wait_dma2 semaphore(%run_scoped3A : memref<!tpu.dma_semaphore, #tpu.memory_space<semaphore_mem>>) src(%dma_wait3A_10 : memref<128xi32, #tpu.memory_space<hbm>>) dst(%arg5 : memref<128xi32, #tpu.memory_space<vmem>>)
      tpu.yield
    }) : () -> ()
    %dma_start3A = arith.constant 0 : i32
    %dma_start3A_3 = arith.constant 0 : i32
    %dma_start3A_4 = tpu.memref_slice %arg2[%dma_start3A, %dma_start3A_3] : memref<16384x128xf32, #tpu.memory_space<hbm>> -> memref<16384x128xf32, #tpu.memory_space<hbm>>
    tpu.enqueue_indirect_dma source(%dma_start3A_4 : memref<16384x128xf32, #tpu.memory_space<hbm>>) target(%arg6 : memref<128x128xf32, #tpu.memory_space<vmem>>) offsets(%arg5 : memref<128xi32, #tpu.memory_space<vmem>>) semaphore(%arg7 : memref<!tpu.dma_semaphore, #tpu.memory_space<semaphore_mem>>)
    %dma_wait3A = arith.constant 0 : i32
    %dma_wait3A_5 = arith.constant 0 : i32
    %dma_wait3A_6 = tpu.memref_slice %arg2[%dma_wait3A, %dma_wait3A_5] : memref<16384x128xf32, #tpu.memory_space<hbm>> -> memref<16384x128xf32, #tpu.memory_space<hbm>>
    tpu.wait_indirect_dma semaphore(%arg7 : memref<!tpu.dma_semaphore, #tpu.memory_space<semaphore_mem>>) src(%dma_wait3A_6 : memref<16384x128xf32, #tpu.memory_space<hbm>>) dst(%arg6 : memref<128x128xf32, #tpu.memory_space<vmem>>)
    "tpu.region"() ({
      %run_scoped3A = tpu.sem_alloc : memref<!tpu.dma_semaphore, #tpu.memory_space<semaphore_mem>>
      %dma_start3A_7 = arith.constant 0 : i32
      %dma_start3A_8 = tpu.memref_slice %arg4[%mul3A_2, %dma_start3A_7] : memref<4096x128xf32, #tpu.memory_space<hbm>> -> memref<128x128xf32, #tpu.memory_space<hbm>>
      %dma_start3A_9 = arith.constant 0 : i32
      %dma_start3A_10 = tpu.memref_slice %arg4[%mul3A_2, %dma_start3A_9] : memref<4096x128xf32, #tpu.memory_space<hbm>> -> memref<128x128xf32, #tpu.memory_space<hbm>>
      tpu.enqueue_dma source(%arg6 : memref<128x128xf32, #tpu.memory_space<vmem>>) target(%dma_start3A_10 : memref<128x128xf32, #tpu.memory_space<hbm>>) target_semaphore(%run_scoped3A : memref<!tpu.dma_semaphore, #tpu.memory_space<semaphore_mem>>)
      %dma_wait3A_11 = arith.constant 0 : i32
      %dma_wait3A_12 = tpu.memref_slice %arg4[%mul3A_2, %dma_wait3A_11] : memref<4096x128xf32, #tpu.memory_space<hbm>> -> memref<128x128xf32, #tpu.memory_space<hbm>>
      %dma_wait3A_13 = arith.constant 0 : i32
      %dma_wait3A_14 = tpu.memref_slice %arg4[%mul3A_2, %dma_wait3A_13] : memref<4096x128xf32, #tpu.memory_space<hbm>> -> memref<128x128xf32, #tpu.memory_space<hbm>>
      tpu.wait_dma2 semaphore(%run_scoped3A : memref<!tpu.dma_semaphore, #tpu.memory_space<semaphore_mem>>) src(%arg6 : memref<128x128xf32, #tpu.memory_space<vmem>>) dst(%dma_wait3A_14 : memref<128x128xf32, #tpu.memory_space<hbm>>)
      tpu.yield
    }) : () -> ()
    return
  }
}

module attributes {stable_mosaic.version = 14 : i64} {
  func.func @_chamfer_body(%arg0: i32, %arg1: i32, %arg2: memref<1x512x3xf32, #tpu.memory_space<vmem>>, %arg3: memref<1x3x8192xf32, #tpu.memory_space<vmem>>, %arg4: memref<1x512x1xi32, #tpu.memory_space<vmem>>) attributes {dimension_semantics = [#tpu.dimension_semantics<arbitrary>, #tpu.dimension_semantics<arbitrary>], iteration_bounds = array<i64: 2, 4>, scalar_prefetch = 0 : i64, scratch_operands = 0 : i64, tpu.core_type = #tpu.core_type<tc>, window_params = [{transform_indices = @transform_0, window_bounds = array<i64: 1, 512, 3>}, {transform_indices = @transform_1, window_bounds = array<i64: 1, 3, 8192>}, {transform_indices = @transform_2, window_bounds = array<i64: 1, 512, 1>}]} {
    %get3A = arith.constant 0 : index
    %get3A_0 = arith.constant 0 : index
    %get3A_1 = arith.constant 0 : index
    %get3A_2 = vector.load %arg2[%get3A, %get3A_0, %get3A_1] : memref<1x512x3xf32, #tpu.memory_space<vmem>>, vector<1x512x3xf32>
    %get3A_3 = vector.shape_cast %get3A_2 : vector<1x512x3xf32> to vector<512x3xf32>
    %slice3A = vector.extract_strided_slice %get3A_3 {offsets = [0, 0], sizes = [512, 1], strides = [1, 1]} : vector<512x3xf32> to vector<512x1xf32>
    %slice3A_4 = vector.extract_strided_slice %get3A_3 {offsets = [0, 1], sizes = [512, 1], strides = [1, 1]} : vector<512x3xf32> to vector<512x1xf32>
    %slice3A_5 = vector.extract_strided_slice %get3A_3 {offsets = [0, 2], sizes = [512, 1], strides = [1, 1]} : vector<512x3xf32> to vector<512x1xf32>
    %mul3A = arith.mulf %slice3A, %slice3A : vector<512x1xf32>
    %mul3A_6 = arith.mulf %slice3A_4, %slice3A_4 : vector<512x1xf32>
    %add3A = arith.addf %mul3A, %mul3A_6 : vector<512x1xf32>
    %mul3A_7 = arith.mulf %slice3A_5, %slice3A_5 : vector<512x1xf32>
    %add3A_8 = arith.addf %add3A, %mul3A_7 : vector<512x1xf32>
    %broadcast_in_dim3A = arith.constant 3.000000e+38 : f32
    %broadcast_in_dim3A_9 = vector.broadcast %broadcast_in_dim3A : f32 to vector<512x1xf32>
    %broadcast_in_dim3A_10 = arith.constant 0 : i32
    %broadcast_in_dim3A_11 = vector.broadcast %broadcast_in_dim3A_10 : i32 to vector<512x1xi32>
    %iota3A = tpu.iota {dimensions = array<i32: 1>} : vector<512x2048xi32>
    %get3A_12 = arith.constant 0 : index
    %get3A_13 = arith.constant 0 : index
    %get3A_14 = arith.constant 0 : index
    %get3A_15 = vector.load %arg3[%get3A_12, %get3A_13, %get3A_14] : memref<1x3x8192xf32, #tpu.memory_space<vmem>>, vector<1x3x2048xf32>
    %get3A_16 = vector.shape_cast %get3A_15 : vector<1x3x2048xf32> to vector<3x2048xf32>
    %slice3A_17 = vector.extract_strided_slice %get3A_16 {offsets = [0, 0], sizes = [1, 2048], strides = [1, 1]} : vector<3x2048xf32> to vector<1x2048xf32>
    %slice3A_18 = vector.extract_strided_slice %get3A_16 {offsets = [1, 0], sizes = [1, 2048], strides = [1, 1]} : vector<3x2048xf32> to vector<1x2048xf32>
    %slice3A_19 = vector.extract_strided_slice %get3A_16 {offsets = [2, 0], sizes = [1, 2048], strides = [1, 1]} : vector<3x2048xf32> to vector<1x2048xf32>
    %mul3A_20 = arith.mulf %slice3A_17, %slice3A_17 : vector<1x2048xf32>
    %mul3A_21 = arith.mulf %slice3A_18, %slice3A_18 : vector<1x2048xf32>
    %add3A_22 = arith.addf %mul3A_20, %mul3A_21 : vector<1x2048xf32>
    %mul3A_23 = arith.mulf %slice3A_19, %slice3A_19 : vector<1x2048xf32>
    %add3A_24 = arith.addf %add3A_22, %mul3A_23 : vector<1x2048xf32>
    %dot_general3A = arith.constant dense<0.000000e+00> : vector<512x2048xf32>
    %dot_general3A_25 = tpu.matmul %get3A_3, %get3A_16, %dot_general3A {dimension_numbers = #tpu.dot_dimension_numbers<[1], [0], [0], [1], [0, 0, 1, 1], [], []>, transpose_lhs_hint = false} : vector<512x3xf32>, vector<3x2048xf32>, vector<512x2048xf32> -> vector<512x2048xf32>
    %add3A_26 = vector.broadcast %add3A_8 : vector<512x1xf32> to vector<512x2048xf32>
    %add3A_27 = vector.broadcast %add3A_24 : vector<1x2048xf32> to vector<512x2048xf32>
    %add3A_28 = arith.addf %add3A_26, %add3A_27 : vector<512x2048xf32>
    %mul3A_29 = arith.constant 2.000000e+00 : f32
    %mul3A_30 = vector.broadcast %mul3A_29 : f32 to vector<512x2048xf32>
    %mul3A_31 = arith.mulf %mul3A_30, %dot_general3A_25 : vector<512x2048xf32>
    %sub3A = arith.subf %add3A_28, %mul3A_31 : vector<512x2048xf32>
    %reduce_min3A = arith.constant dense<0x7F800000> : vector<512xf32>
    %reduce_min3A_32 = vector.multi_reduction <minimumf>, %sub3A, %reduce_min3A [1] : vector<512x2048xf32> to vector<512xf32>
    %broadcast_in_dim3A_33 = vector.shape_cast %reduce_min3A_32 : vector<512xf32> to vector<512x1xf32>
    %eq3A = vector.broadcast %broadcast_in_dim3A_33 : vector<512x1xf32> to vector<512x2048xf32>
    %eq3A_34 = arith.cmpf oeq, %sub3A, %eq3A : vector<512x2048xf32>
    %jit3A = arith.constant 2048 : i32
    %broadcast_in_dim3A_35 = vector.broadcast %jit3A : i32 to vector<512x2048xi32>
    %select_n3A = arith.select %eq3A_34, %iota3A, %broadcast_in_dim3A_35 : vector<512x2048xi1>, vector<512x2048xi32>
    %reduce_min3A_36 = arith.constant dense<2147483647> : vector<512xi32>
    %reduce_min3A_37 = vector.multi_reduction <minsi>, %select_n3A, %reduce_min3A_36 [1] : vector<512x2048xi32> to vector<512xi32>
    %broadcast_in_dim3A_38 = vector.shape_cast %reduce_min3A_37 : vector<512xi32> to vector<512x1xi32>
    %lt3A = arith.cmpf olt, %broadcast_in_dim3A_33, %broadcast_in_dim3A_9 : vector<512x1xf32>
    %select_n3A_39 = arith.select %lt3A, %broadcast_in_dim3A_33, %broadcast_in_dim3A_9 : vector<512x1xi1>, vector<512x1xf32>
    %add3A_40 = arith.constant 0 : i32
    %add3A_41 = vector.broadcast %add3A_40 : i32 to vector<512x1xi32>
    %add3A_42 = arith.addi %broadcast_in_dim3A_38, %add3A_41 : vector<512x1xi32>
    %select_n3A_43 = arith.select %lt3A, %add3A_42, %broadcast_in_dim3A_11 : vector<512x1xi1>, vector<512x1xi32>
    %get3A_44 = arith.constant 0 : index
    %get3A_45 = arith.constant 0 : index
    %get3A_46 = arith.constant 2048 : index
    %get3A_47 = vector.load %arg3[%get3A_44, %get3A_45, %get3A_46] : memref<1x3x8192xf32, #tpu.memory_space<vmem>>, vector<1x3x2048xf32>
    %get3A_48 = vector.shape_cast %get3A_47 : vector<1x3x2048xf32> to vector<3x2048xf32>
    %slice3A_49 = vector.extract_strided_slice %get3A_48 {offsets = [0, 0], sizes = [1, 2048], strides = [1, 1]} : vector<3x2048xf32> to vector<1x2048xf32>
    %slice3A_50 = vector.extract_strided_slice %get3A_48 {offsets = [1, 0], sizes = [1, 2048], strides = [1, 1]} : vector<3x2048xf32> to vector<1x2048xf32>
    %slice3A_51 = vector.extract_strided_slice %get3A_48 {offsets = [2, 0], sizes = [1, 2048], strides = [1, 1]} : vector<3x2048xf32> to vector<1x2048xf32>
    %mul3A_52 = arith.mulf %slice3A_49, %slice3A_49 : vector<1x2048xf32>
    %mul3A_53 = arith.mulf %slice3A_50, %slice3A_50 : vector<1x2048xf32>
    %add3A_54 = arith.addf %mul3A_52, %mul3A_53 : vector<1x2048xf32>
    %mul3A_55 = arith.mulf %slice3A_51, %slice3A_51 : vector<1x2048xf32>
    %add3A_56 = arith.addf %add3A_54, %mul3A_55 : vector<1x2048xf32>
    %dot_general3A_57 = arith.constant dense<0.000000e+00> : vector<512x2048xf32>
    %dot_general3A_58 = tpu.matmul %get3A_3, %get3A_48, %dot_general3A_57 {dimension_numbers = #tpu.dot_dimension_numbers<[1], [0], [0], [1], [0, 0, 1, 1], [], []>, transpose_lhs_hint = false} : vector<512x3xf32>, vector<3x2048xf32>, vector<512x2048xf32> -> vector<512x2048xf32>
    %add3A_59 = vector.broadcast %add3A_8 : vector<512x1xf32> to vector<512x2048xf32>
    %add3A_60 = vector.broadcast %add3A_56 : vector<1x2048xf32> to vector<512x2048xf32>
    %add3A_61 = arith.addf %add3A_59, %add3A_60 : vector<512x2048xf32>
    %mul3A_62 = arith.constant 2.000000e+00 : f32
    %mul3A_63 = vector.broadcast %mul3A_62 : f32 to vector<512x2048xf32>
    %mul3A_64 = arith.mulf %mul3A_63, %dot_general3A_58 : vector<512x2048xf32>
    %sub3A_65 = arith.subf %add3A_61, %mul3A_64 : vector<512x2048xf32>
    %reduce_min3A_66 = arith.constant dense<0x7F800000> : vector<512xf32>
    %reduce_min3A_67 = vector.multi_reduction <minimumf>, %sub3A_65, %reduce_min3A_66 [1] : vector<512x2048xf32> to vector<512xf32>
    %broadcast_in_dim3A_68 = vector.shape_cast %reduce_min3A_67 : vector<512xf32> to vector<512x1xf32>
    %eq3A_69 = vector.broadcast %broadcast_in_dim3A_68 : vector<512x1xf32> to vector<512x2048xf32>
    %eq3A_70 = arith.cmpf oeq, %sub3A_65, %eq3A_69 : vector<512x2048xf32>
    %jit3A_71 = arith.constant 2048 : i32
    %broadcast_in_dim3A_72 = vector.broadcast %jit3A_71 : i32 to vector<512x2048xi32>
    %select_n3A_73 = arith.select %eq3A_70, %iota3A, %broadcast_in_dim3A_72 : vector<512x2048xi1>, vector<512x2048xi32>
    %reduce_min3A_74 = arith.constant dense<2147483647> : vector<512xi32>
    %reduce_min3A_75 = vector.multi_reduction <minsi>, %select_n3A_73, %reduce_min3A_74 [1] : vector<512x2048xi32> to vector<512xi32>
    %broadcast_in_dim3A_76 = vector.shape_cast %reduce_min3A_75 : vector<512xi32> to vector<512x1xi32>
    %lt3A_77 = arith.cmpf olt, %broadcast_in_dim3A_68, %select_n3A_39 : vector<512x1xf32>
    %select_n3A_78 = arith.select %lt3A_77, %broadcast_in_dim3A_68, %select_n3A_39 : vector<512x1xi1>, vector<512x1xf32>
    %add3A_79 = arith.constant 2048 : i32
    %add3A_80 = vector.broadcast %add3A_79 : i32 to vector<512x1xi32>
    %add3A_81 = arith.addi %broadcast_in_dim3A_76, %add3A_80 : vector<512x1xi32>
    %select_n3A_82 = arith.select %lt3A_77, %add3A_81, %select_n3A_43 : vector<512x1xi1>, vector<512x1xi32>
    %get3A_83 = arith.constant 0 : index
    %get3A_84 = arith.constant 0 : index
    %get3A_85 = arith.constant 4096 : index
    %get3A_86 = vector.load %arg3[%get3A_83, %get3A_84, %get3A_85] : memref<1x3x8192xf32, #tpu.memory_space<vmem>>, vector<1x3x2048xf32>
    %get3A_87 = vector.shape_cast %get3A_86 : vector<1x3x2048xf32> to vector<3x2048xf32>
    %slice3A_88 = vector.extract_strided_slice %get3A_87 {offsets = [0, 0], sizes = [1, 2048], strides = [1, 1]} : vector<3x2048xf32> to vector<1x2048xf32>
    %slice3A_89 = vector.extract_strided_slice %get3A_87 {offsets = [1, 0], sizes = [1, 2048], strides = [1, 1]} : vector<3x2048xf32> to vector<1x2048xf32>
    %slice3A_90 = vector.extract_strided_slice %get3A_87 {offsets = [2, 0], sizes = [1, 2048], strides = [1, 1]} : vector<3x2048xf32> to vector<1x2048xf32>
    %mul3A_91 = arith.mulf %slice3A_88, %slice3A_88 : vector<1x2048xf32>
    %mul3A_92 = arith.mulf %slice3A_89, %slice3A_89 : vector<1x2048xf32>
    %add3A_93 = arith.addf %mul3A_91, %mul3A_92 : vector<1x2048xf32>
    %mul3A_94 = arith.mulf %slice3A_90, %slice3A_90 : vector<1x2048xf32>
    %add3A_95 = arith.addf %add3A_93, %mul3A_94 : vector<1x2048xf32>
    %dot_general3A_96 = arith.constant dense<0.000000e+00> : vector<512x2048xf32>
    %dot_general3A_97 = tpu.matmul %get3A_3, %get3A_87, %dot_general3A_96 {dimension_numbers = #tpu.dot_dimension_numbers<[1], [0], [0], [1], [0, 0, 1, 1], [], []>, transpose_lhs_hint = false} : vector<512x3xf32>, vector<3x2048xf32>, vector<512x2048xf32> -> vector<512x2048xf32>
    %add3A_98 = vector.broadcast %add3A_8 : vector<512x1xf32> to vector<512x2048xf32>
    %add3A_99 = vector.broadcast %add3A_95 : vector<1x2048xf32> to vector<512x2048xf32>
    %add3A_100 = arith.addf %add3A_98, %add3A_99 : vector<512x2048xf32>
    %mul3A_101 = arith.constant 2.000000e+00 : f32
    %mul3A_102 = vector.broadcast %mul3A_101 : f32 to vector<512x2048xf32>
    %mul3A_103 = arith.mulf %mul3A_102, %dot_general3A_97 : vector<512x2048xf32>
    %sub3A_104 = arith.subf %add3A_100, %mul3A_103 : vector<512x2048xf32>
    %reduce_min3A_105 = arith.constant dense<0x7F800000> : vector<512xf32>
    %reduce_min3A_106 = vector.multi_reduction <minimumf>, %sub3A_104, %reduce_min3A_105 [1] : vector<512x2048xf32> to vector<512xf32>
    %broadcast_in_dim3A_107 = vector.shape_cast %reduce_min3A_106 : vector<512xf32> to vector<512x1xf32>
    %eq3A_108 = vector.broadcast %broadcast_in_dim3A_107 : vector<512x1xf32> to vector<512x2048xf32>
    %eq3A_109 = arith.cmpf oeq, %sub3A_104, %eq3A_108 : vector<512x2048xf32>
    %jit3A_110 = arith.constant 2048 : i32
    %broadcast_in_dim3A_111 = vector.broadcast %jit3A_110 : i32 to vector<512x2048xi32>
    %select_n3A_112 = arith.select %eq3A_109, %iota3A, %broadcast_in_dim3A_111 : vector<512x2048xi1>, vector<512x2048xi32>
    %reduce_min3A_113 = arith.constant dense<2147483647> : vector<512xi32>
    %reduce_min3A_114 = vector.multi_reduction <minsi>, %select_n3A_112, %reduce_min3A_113 [1] : vector<512x2048xi32> to vector<512xi32>
    %broadcast_in_dim3A_115 = vector.shape_cast %reduce_min3A_114 : vector<512xi32> to vector<512x1xi32>
    %lt3A_116 = arith.cmpf olt, %broadcast_in_dim3A_107, %select_n3A_78 : vector<512x1xf32>
    %select_n3A_117 = arith.select %lt3A_116, %broadcast_in_dim3A_107, %select_n3A_78 : vector<512x1xi1>, vector<512x1xf32>
    %add3A_118 = arith.constant 4096 : i32
    %add3A_119 = vector.broadcast %add3A_118 : i32 to vector<512x1xi32>
    %add3A_120 = arith.addi %broadcast_in_dim3A_115, %add3A_119 : vector<512x1xi32>
    %select_n3A_121 = arith.select %lt3A_116, %add3A_120, %select_n3A_82 : vector<512x1xi1>, vector<512x1xi32>
    %get3A_122 = arith.constant 0 : index
    %get3A_123 = arith.constant 0 : index
    %get3A_124 = arith.constant 6144 : index
    %get3A_125 = vector.load %arg3[%get3A_122, %get3A_123, %get3A_124] : memref<1x3x8192xf32, #tpu.memory_space<vmem>>, vector<1x3x2048xf32>
    %get3A_126 = vector.shape_cast %get3A_125 : vector<1x3x2048xf32> to vector<3x2048xf32>
    %slice3A_127 = vector.extract_strided_slice %get3A_126 {offsets = [0, 0], sizes = [1, 2048], strides = [1, 1]} : vector<3x2048xf32> to vector<1x2048xf32>
    %slice3A_128 = vector.extract_strided_slice %get3A_126 {offsets = [1, 0], sizes = [1, 2048], strides = [1, 1]} : vector<3x2048xf32> to vector<1x2048xf32>
    %slice3A_129 = vector.extract_strided_slice %get3A_126 {offsets = [2, 0], sizes = [1, 2048], strides = [1, 1]} : vector<3x2048xf32> to vector<1x2048xf32>
    %mul3A_130 = arith.mulf %slice3A_127, %slice3A_127 : vector<1x2048xf32>
    %mul3A_131 = arith.mulf %slice3A_128, %slice3A_128 : vector<1x2048xf32>
    %add3A_132 = arith.addf %mul3A_130, %mul3A_131 : vector<1x2048xf32>
    %mul3A_133 = arith.mulf %slice3A_129, %slice3A_129 : vector<1x2048xf32>
    %add3A_134 = arith.addf %add3A_132, %mul3A_133 : vector<1x2048xf32>
    %dot_general3A_135 = arith.constant dense<0.000000e+00> : vector<512x2048xf32>
    %dot_general3A_136 = tpu.matmul %get3A_3, %get3A_126, %dot_general3A_135 {dimension_numbers = #tpu.dot_dimension_numbers<[1], [0], [0], [1], [0, 0, 1, 1], [], []>, transpose_lhs_hint = false} : vector<512x3xf32>, vector<3x2048xf32>, vector<512x2048xf32> -> vector<512x2048xf32>
    %add3A_137 = vector.broadcast %add3A_8 : vector<512x1xf32> to vector<512x2048xf32>
    %add3A_138 = vector.broadcast %add3A_134 : vector<1x2048xf32> to vector<512x2048xf32>
    %add3A_139 = arith.addf %add3A_137, %add3A_138 : vector<512x2048xf32>
    %mul3A_140 = arith.constant 2.000000e+00 : f32
    %mul3A_141 = vector.broadcast %mul3A_140 : f32 to vector<512x2048xf32>
    %mul3A_142 = arith.mulf %mul3A_141, %dot_general3A_136 : vector<512x2048xf32>
    %sub3A_143 = arith.subf %add3A_139, %mul3A_142 : vector<512x2048xf32>
    %reduce_min3A_144 = arith.constant dense<0x7F800000> : vector<512xf32>
    %reduce_min3A_145 = vector.multi_reduction <minimumf>, %sub3A_143, %reduce_min3A_144 [1] : vector<512x2048xf32> to vector<512xf32>
    %broadcast_in_dim3A_146 = vector.shape_cast %reduce_min3A_145 : vector<512xf32> to vector<512x1xf32>
    %eq3A_147 = vector.broadcast %broadcast_in_dim3A_146 : vector<512x1xf32> to vector<512x2048xf32>
    %eq3A_148 = arith.cmpf oeq, %sub3A_143, %eq3A_147 : vector<512x2048xf32>
    %jit3A_149 = arith.constant 2048 : i32
    %broadcast_in_dim3A_150 = vector.broadcast %jit3A_149 : i32 to vector<512x2048xi32>
    %select_n3A_151 = arith.select %eq3A_148, %iota3A, %broadcast_in_dim3A_150 : vector<512x2048xi1>, vector<512x2048xi32>
    %reduce_min3A_152 = arith.constant dense<2147483647> : vector<512xi32>
    %reduce_min3A_153 = vector.multi_reduction <minsi>, %select_n3A_151, %reduce_min3A_152 [1] : vector<512x2048xi32> to vector<512xi32>
    %broadcast_in_dim3A_154 = vector.shape_cast %reduce_min3A_153 : vector<512xi32> to vector<512x1xi32>
    %lt3A_155 = arith.cmpf olt, %broadcast_in_dim3A_146, %select_n3A_117 : vector<512x1xf32>
    %add3A_156 = arith.constant 6144 : i32
    %add3A_157 = vector.broadcast %add3A_156 : i32 to vector<512x1xi32>
    %add3A_158 = arith.addi %broadcast_in_dim3A_154, %add3A_157 : vector<512x1xi32>
    %select_n3A_159 = arith.select %lt3A_155, %add3A_158, %select_n3A_121 : vector<512x1xi1>, vector<512x1xi32>
    %swap3A = arith.constant 0 : index
    %swap3A_160 = arith.constant 0 : index
    %swap3A_161 = arith.constant 0 : index
    %swap3A_162 = vector.load %arg4[%swap3A, %swap3A_160, %swap3A_161] : memref<1x512x1xi32, #tpu.memory_space<vmem>>, vector<1x512x1xi32>
    %swap3A_163 = vector.shape_cast %swap3A_162 : vector<1x512x1xi32> to vector<512x1xi32>
    %swap3A_164 = vector.shape_cast %select_n3A_159 : vector<512x1xi32> to vector<1x512x1xi32>
    tpu.vector_store %arg4[%swap3A, %swap3A_160, %swap3A_161], %swap3A_164 {strides = array<i32>} : memref<1x512x1xi32, #tpu.memory_space<vmem>>, vector<1x512x1xi32>,
    return
  }
  func.func @transform_0(%arg0: i32, %arg1: i32) -> (i32, i32, i32) {
    %c0_i32 = arith.constant 0 : i32
    %c0_i32_0 = arith.constant 0 : i32
    return %arg0, %arg1, %c0_i32 : i32, i32, i32
  }
  func.func @transform_1(%arg0: i32, %arg1: i32) -> (i32, i32, i32) {
    %c0_i32 = arith.constant 0 : i32
    %c0_i32_0 = arith.constant 0 : i32
    %c0_i32_1 = arith.constant 0 : i32
    return %arg0, %c0_i32, %c0_i32_0 : i32, i32, i32
  }
  func.func @transform_2(%arg0: i32, %arg1: i32) -> (i32, i32, i32) {
    %c0_i32 = arith.constant 0 : i32
    %c0_i32_0 = arith.constant 0 : i32
    return %arg0, %arg1, %c0_i32 : i32, i32, i32
  }
}

module attributes {stable_mosaic.version = 14 : i64} {
  func.func @_knn_loss_body(%arg0: i32, %arg1: i32, %arg2: memref<1x2048x3xf32, #tpu.memory_space<vmem>>, %arg3: memref<1x3x2048xf32, #tpu.memory_space<vmem>>, %arg4: memref<1x16x384xbf16, #tpu.memory_space<vmem>>, %arg5: memref<1x16x384xbf16, #tpu.memory_space<vmem>>, %arg6: memref<1x16x384xbf16, #tpu.memory_space<vmem>>, %arg7: memref<1x2048x3xf32, #tpu.memory_space<vmem>>, %arg8: memref<1x3x2048xf32, #tpu.memory_space<vmem>>, %arg9: memref<1x16x384xbf16, #tpu.memory_space<vmem>>, %arg10: memref<1x16x384xbf16, #tpu.memory_space<vmem>>, %arg11: memref<1x16x384xbf16, #tpu.memory_space<vmem>>, %arg12: memref<1x1xf32, #tpu.memory_space<smem>>) attributes {dimension_semantics = [#tpu.dimension_semantics<arbitrary>, #tpu.dimension_semantics<arbitrary>], iteration_bounds = array<i64: 2, 2>, scalar_prefetch = 0 : i64, scratch_operands = 0 : i64, tpu.core_type = #tpu.core_type<tc>, window_params = [{transform_indices = @transform_0, window_bounds = array<i64: 1, 2048, 3>}, {transform_indices = @transform_1, window_bounds = array<i64: 1, 3, 2048>}, {transform_indices = @transform_2, window_bounds = array<i64: 1, 16, 384>}, {transform_indices = @transform_3, window_bounds = array<i64: 1, 16, 384>}, {transform_indices = @transform_4, window_bounds = array<i64: 1, 16, 384>}, {transform_indices = @transform_5, window_bounds = array<i64: 1, 2048, 3>}, {transform_indices = @transform_6, window_bounds = array<i64: 1, 3, 2048>}, {transform_indices = @transform_7, window_bounds = array<i64: 1, 16, 384>}, {transform_indices = @transform_8, window_bounds = array<i64: 1, 16, 384>}, {transform_indices = @transform_9, window_bounds = array<i64: 1, 16, 384>}, {transform_indices = @transform_10, window_bounds = array<i64: 1, 1>}]} {
    %get3A = arith.constant 0 : index
    %get3A_0 = arith.constant 0 : index
    %get3A_1 = arith.constant 0 : index
    %get3A_2 = vector.load %arg3[%get3A, %get3A_0, %get3A_1] : memref<1x3x2048xf32, #tpu.memory_space<vmem>>, vector<1x3x2048xf32>
    %get3A_3 = vector.shape_cast %get3A_2 : vector<1x3x2048xf32> to vector<3x2048xf32>
    %mul3A = arith.constant 1024 : i32
    %mul3A_4 = arith.muli %arg1, %mul3A : i32
    %get3A_5 = arith.constant 0 : index
    %get3A_6 = arith.index_cast %mul3A_4 : i32 to index
    %get3A_7 = arith.constant 0 : index
    %get3A_8 = vector.load %arg2[%get3A_5, %get3A_6, %get3A_7] : memref<1x2048x3xf32, #tpu.memory_space<vmem>>, vector<1x1024x3xf32>
    %get3A_9 = vector.shape_cast %get3A_8 : vector<1x1024x3xf32> to vector<1024x3xf32>
    %slice3A = vector.extract_strided_slice %get3A_3 {offsets = [0, 0], sizes = [1, 2048], strides = [1, 1]} : vector<3x2048xf32> to vector<1x2048xf32>
    %slice3A_10 = vector.extract_strided_slice %get3A_3 {offsets = [1, 0], sizes = [1, 2048], strides = [1, 1]} : vector<3x2048xf32> to vector<1x2048xf32>
    %slice3A_11 = vector.extract_strided_slice %get3A_3 {offsets = [2, 0], sizes = [1, 2048], strides = [1, 1]} : vector<3x2048xf32> to vector<1x2048xf32>
    %slice3A_12 = vector.extract_strided_slice %get3A_9 {offsets = [0, 0], sizes = [1024, 1], strides = [1, 1]} : vector<1024x3xf32> to vector<1024x1xf32>
    %slice3A_13 = vector.extract_strided_slice %get3A_9 {offsets = [0, 1], sizes = [1024, 1], strides = [1, 1]} : vector<1024x3xf32> to vector<1024x1xf32>
    %slice3A_14 = vector.extract_strided_slice %get3A_9 {offsets = [0, 2], sizes = [1024, 1], strides = [1, 1]} : vector<1024x3xf32> to vector<1024x1xf32>
    %mul3A_15 = arith.mulf %slice3A_12, %slice3A_12 : vector<1024x1xf32>
    %mul3A_16 = arith.mulf %slice3A_13, %slice3A_13 : vector<1024x1xf32>
    %add3A = arith.addf %mul3A_15, %mul3A_16 : vector<1024x1xf32>
    %mul3A_17 = arith.mulf %slice3A_14, %slice3A_14 : vector<1024x1xf32>
    %add3A_18 = arith.addf %add3A, %mul3A_17 : vector<1024x1xf32>
    %mul3A_19 = arith.mulf %slice3A, %slice3A : vector<1x2048xf32>
    %mul3A_20 = arith.mulf %slice3A_10, %slice3A_10 : vector<1x2048xf32>
    %add3A_21 = arith.addf %mul3A_19, %mul3A_20 : vector<1x2048xf32>
    %mul3A_22 = arith.mulf %slice3A_11, %slice3A_11 : vector<1x2048xf32>
    %add3A_23 = arith.addf %add3A_21, %mul3A_22 : vector<1x2048xf32>
    %dot_general3A = arith.constant dense<0.000000e+00> : vector<1024x2048xf32>
    %dot_general3A_24 = tpu.matmul %get3A_9, %get3A_3, %dot_general3A {dimension_numbers = #tpu.dot_dimension_numbers<[1], [0], [0], [1], [0, 0, 1, 1], [], []>, transpose_lhs_hint = false} : vector<1024x3xf32>, vector<3x2048xf32>, vector<1024x2048xf32> -> vector<1024x2048xf32>
    %mul3A_25 = arith.constant 2.000000e+00 : f32
    %mul3A_26 = vector.broadcast %mul3A_25 : f32 to vector<1024x2048xf32>
    %mul3A_27 = arith.mulf %mul3A_26, %dot_general3A_24 : vector<1024x2048xf32>
    %sub3A = vector.broadcast %add3A_18 : vector<1024x1xf32> to vector<1024x2048xf32>
    %sub3A_28 = arith.subf %mul3A_27, %sub3A : vector<1024x2048xf32>
    %sub3A_29 = vector.broadcast %add3A_23 : vector<1x2048xf32> to vector<1024x2048xf32>
    %sub3A_30 = arith.subf %sub3A_28, %sub3A_29 : vector<1024x2048xf32>
    %get3A_31 = arith.constant 0 : index
    %get3A_32 = arith.constant 0 : index
    %get3A_33 = arith.constant 0 : index
    %get3A_34 = vector.load %arg4[%get3A_31, %get3A_32, %get3A_33] : memref<1x16x384xbf16, #tpu.memory_space<vmem>>, vector<1x16x384xbf16>
    %get3A_35 = vector.shape_cast %get3A_34 : vector<1x16x384xbf16> to vector<16x384xbf16>
    %get3A_36 = arith.constant 0 : index
    %get3A_37 = arith.constant 0 : index
    %get3A_38 = arith.constant 0 : index
    %get3A_39 = vector.load %arg5[%get3A_36, %get3A_37, %get3A_38] : memref<1x16x384xbf16, #tpu.memory_space<vmem>>, vector<1x16x384xbf16>
    %get3A_40 = vector.shape_cast %get3A_39 : vector<1x16x384xbf16> to vector<16x384xbf16>
    %get3A_41 = arith.constant 0 : index
    %get3A_42 = arith.constant 0 : index
    %get3A_43 = arith.constant 0 : index
    %get3A_44 = vector.load %arg6[%get3A_41, %get3A_42, %get3A_43] : memref<1x16x384xbf16, #tpu.memory_space<vmem>>, vector<1x16x384xbf16>
    %get3A_45 = vector.shape_cast %get3A_44 : vector<1x16x384xbf16> to vector<16x384xbf16>
    %get3A_46 = arith.constant 0 : index
    %get3A_47 = arith.constant 0 : index
    %get3A_48 = arith.constant 0 : index
    %get3A_49 = vector.load %arg8[%get3A_46, %get3A_47, %get3A_48] : memref<1x3x2048xf32, #tpu.memory_space<vmem>>, vector<1x3x2048xf32>
    %get3A_50 = vector.shape_cast %get3A_49 : vector<1x3x2048xf32> to vector<3x2048xf32>
    %mul3A_51 = arith.constant 1024 : i32
    %mul3A_52 = arith.muli %arg1, %mul3A_51 : i32
    %get3A_53 = arith.constant 0 : index
    %get3A_54 = arith.index_cast %mul3A_52 : i32 to index
    %get3A_55 = arith.constant 0 : index
    %get3A_56 = vector.load %arg7[%get3A_53, %get3A_54, %get3A_55] : memref<1x2048x3xf32, #tpu.memory_space<vmem>>, vector<1x1024x3xf32>
    %get3A_57 = vector.shape_cast %get3A_56 : vector<1x1024x3xf32> to vector<1024x3xf32>
    %slice3A_58 = vector.extract_strided_slice %get3A_50 {offsets = [0, 0], sizes = [1, 2048], strides = [1, 1]} : vector<3x2048xf32> to vector<1x2048xf32>
    %slice3A_59 = vector.extract_strided_slice %get3A_50 {offsets = [1, 0], sizes = [1, 2048], strides = [1, 1]} : vector<3x2048xf32> to vector<1x2048xf32>
    %slice3A_60 = vector.extract_strided_slice %get3A_50 {offsets = [2, 0], sizes = [1, 2048], strides = [1, 1]} : vector<3x2048xf32> to vector<1x2048xf32>
    %slice3A_61 = vector.extract_strided_slice %get3A_57 {offsets = [0, 0], sizes = [1024, 1], strides = [1, 1]} : vector<1024x3xf32> to vector<1024x1xf32>
    %slice3A_62 = vector.extract_strided_slice %get3A_57 {offsets = [0, 1], sizes = [1024, 1], strides = [1, 1]} : vector<1024x3xf32> to vector<1024x1xf32>
    %slice3A_63 = vector.extract_strided_slice %get3A_57 {offsets = [0, 2], sizes = [1024, 1], strides = [1, 1]} : vector<1024x3xf32> to vector<1024x1xf32>
    %mul3A_64 = arith.mulf %slice3A_61, %slice3A_61 : vector<1024x1xf32>
    %mul3A_65 = arith.mulf %slice3A_62, %slice3A_62 : vector<1024x1xf32>
    %add3A_66 = arith.addf %mul3A_64, %mul3A_65 : vector<1024x1xf32>
    %mul3A_67 = arith.mulf %slice3A_63, %slice3A_63 : vector<1024x1xf32>
    %add3A_68 = arith.addf %add3A_66, %mul3A_67 : vector<1024x1xf32>
    %mul3A_69 = arith.mulf %slice3A_58, %slice3A_58 : vector<1x2048xf32>
    %mul3A_70 = arith.mulf %slice3A_59, %slice3A_59 : vector<1x2048xf32>
    %add3A_71 = arith.addf %mul3A_69, %mul3A_70 : vector<1x2048xf32>
    %mul3A_72 = arith.mulf %slice3A_60, %slice3A_60 : vector<1x2048xf32>
    %add3A_73 = arith.addf %add3A_71, %mul3A_72 : vector<1x2048xf32>
    %dot_general3A_74 = arith.constant dense<0.000000e+00> : vector<1024x2048xf32>
    %dot_general3A_75 = tpu.matmul %get3A_57, %get3A_50, %dot_general3A_74 {dimension_numbers = #tpu.dot_dimension_numbers<[1], [0], [0], [1], [0, 0, 1, 1], [], []>, transpose_lhs_hint = false} : vector<1024x3xf32>, vector<3x2048xf32>, vector<1024x2048xf32> -> vector<1024x2048xf32>
    %mul3A_76 = arith.constant 2.000000e+00 : f32
    %mul3A_77 = vector.broadcast %mul3A_76 : f32 to vector<1024x2048xf32>
    %mul3A_78 = arith.mulf %mul3A_77, %dot_general3A_75 : vector<1024x2048xf32>
    %sub3A_79 = vector.broadcast %add3A_68 : vector<1024x1xf32> to vector<1024x2048xf32>
    %sub3A_80 = arith.subf %mul3A_78, %sub3A_79 : vector<1024x2048xf32>
    %sub3A_81 = vector.broadcast %add3A_73 : vector<1x2048xf32> to vector<1024x2048xf32>
    %sub3A_82 = arith.subf %sub3A_80, %sub3A_81 : vector<1024x2048xf32>
    %get3A_83 = arith.constant 0 : index
    %get3A_84 = arith.constant 0 : index
    %get3A_85 = arith.constant 0 : index
    %get3A_86 = vector.load %arg9[%get3A_83, %get3A_84, %get3A_85] : memref<1x16x384xbf16, #tpu.memory_space<vmem>>, vector<1x16x384xbf16>
    %get3A_87 = vector.shape_cast %get3A_86 : vector<1x16x384xbf16> to vector<16x384xbf16>
    %get3A_88 = arith.constant 0 : index
    %get3A_89 = arith.constant 0 : index
    %get3A_90 = arith.constant 0 : index
    %get3A_91 = vector.load %arg10[%get3A_88, %get3A_89, %get3A_90] : memref<1x16x384xbf16, #tpu.memory_space<vmem>>, vector<1x16x384xbf16>
    %get3A_92 = vector.shape_cast %get3A_91 : vector<1x16x384xbf16> to vector<16x384xbf16>
    %get3A_93 = arith.constant 0 : index
    %get3A_94 = arith.constant 0 : index
    %get3A_95 = arith.constant 0 : index
    %get3A_96 = vector.load %arg11[%get3A_93, %get3A_94, %get3A_95] : memref<1x16x384xbf16, #tpu.memory_space<vmem>>, vector<1x16x384xbf16>
    %get3A_97 = vector.shape_cast %get3A_96 : vector<1x16x384xbf16> to vector<16x384xbf16>
    %iota3A = tpu.iota {dimensions = array<i32: 1>} : vector<1024x2048xi32>
    %iota3A_98 = tpu.iota {dimensions = array<i32: 1>} : vector<1024x128xi32>
    %broadcast_in_dim3A = arith.constant 0.000000e+00 : f32
    %broadcast_in_dim3A_99 = vector.broadcast %broadcast_in_dim3A : f32 to vector<1024x1xf32>
    %scan3A = arith.constant 0 : i32
    %scan3A_100 = arith.constant 16 : i32
    %scan3A_101 = arith.addi %scan3A, %scan3A_100 : i32
    %scan3A_102 = arith.constant 1 : i32
    %scan3A_103:3 = scf.for %scan3A_118 = %scan3A to %scan3A_101 step %scan3A_102 iter_args(%scan3A_119 = %sub3A_30, %scan3A_120 = %sub3A_82, %scan3A_121 = %broadcast_in_dim3A_99) -> (vector<1024x2048xf32>, vector<1024x2048xf32>, vector<1024x1xf32>)  : i32 {
      %broadcast_in_dim3A_122 = arith.constant -3.000000e+38 : f32
      %broadcast_in_dim3A_123 = vector.broadcast %broadcast_in_dim3A_122 : f32 to vector<1024x128xf32>
      %broadcast_in_dim3A_124 = arith.constant 0 : i32
      %broadcast_in_dim3A_125 = vector.broadcast %broadcast_in_dim3A_124 : i32 to vector<1024x128xi32>
      %slice3A_126 = vector.extract_strided_slice %scan3A_119 {offsets = [0, 0], sizes = [1024, 128], strides = [1, 1]} : vector<1024x2048xf32> to vector<1024x128xf32>
      %gt3A = arith.cmpf ogt, %slice3A_126, %broadcast_in_dim3A_123 : vector<1024x128xf32>
      %jit3A = arith.constant 0 : i32
      %broadcast_in_dim3A_127 = vector.broadcast %jit3A : i32 to vector<1024x128xi32>
      %select_n3A = arith.select %gt3A, %broadcast_in_dim3A_127, %broadcast_in_dim3A_125 : vector<1024x128xi1>, vector<1024x128xi32>
      %max3A = arith.maximumf %slice3A_126, %broadcast_in_dim3A_123 : vector<1024x128xf32>
      %slice3A_128 = vector.extract_strided_slice %scan3A_119 {offsets = [0, 128], sizes = [1024, 128], strides = [1, 1]} : vector<1024x2048xf32> to vector<1024x128xf32>
      %gt3A_129 = arith.cmpf ogt, %slice3A_128, %max3A : vector<1024x128xf32>
      %jit3A_130 = arith.constant 1 : i32
      %broadcast_in_dim3A_131 = vector.broadcast %jit3A_130 : i32 to vector<1024x128xi32>
      %select_n3A_132 = arith.select %gt3A_129, %broadcast_in_dim3A_131, %select_n3A : vector<1024x128xi1>, vector<1024x128xi32>
      %max3A_133 = arith.maximumf %slice3A_128, %max3A : vector<1024x128xf32>
      %slice3A_134 = vector.extract_strided_slice %scan3A_119 {offsets = [0, 256], sizes = [1024, 128], strides = [1, 1]} : vector<1024x2048xf32> to vector<1024x128xf32>
      %gt3A_135 = arith.cmpf ogt, %slice3A_134, %max3A_133 : vector<1024x128xf32>
      %jit3A_136 = arith.constant 2 : i32
      %broadcast_in_dim3A_137 = vector.broadcast %jit3A_136 : i32 to vector<1024x128xi32>
      %select_n3A_138 = arith.select %gt3A_135, %broadcast_in_dim3A_137, %select_n3A_132 : vector<1024x128xi1>, vector<1024x128xi32>
      %max3A_139 = arith.maximumf %slice3A_134, %max3A_133 : vector<1024x128xf32>
      %slice3A_140 = vector.extract_strided_slice %scan3A_119 {offsets = [0, 384], sizes = [1024, 128], strides = [1, 1]} : vector<1024x2048xf32> to vector<1024x128xf32>
      %gt3A_141 = arith.cmpf ogt, %slice3A_140, %max3A_139 : vector<1024x128xf32>
      %jit3A_142 = arith.constant 3 : i32
      %broadcast_in_dim3A_143 = vector.broadcast %jit3A_142 : i32 to vector<1024x128xi32>
      %select_n3A_144 = arith.select %gt3A_141, %broadcast_in_dim3A_143, %select_n3A_138 : vector<1024x128xi1>, vector<1024x128xi32>
      %max3A_145 = arith.maximumf %slice3A_140, %max3A_139 : vector<1024x128xf32>
      %slice3A_146 = vector.extract_strided_slice %scan3A_119 {offsets = [0, 512], sizes = [1024, 128], strides = [1, 1]} : vector<1024x2048xf32> to vector<1024x128xf32>
      %gt3A_147 = arith.cmpf ogt, %slice3A_146, %max3A_145 : vector<1024x128xf32>
      %jit3A_148 = arith.constant 4 : i32
      %broadcast_in_dim3A_149 = vector.broadcast %jit3A_148 : i32 to vector<1024x128xi32>
      %select_n3A_150 = arith.select %gt3A_147, %broadcast_in_dim3A_149, %select_n3A_144 : vector<1024x128xi1>, vector<1024x128xi32>
      %max3A_151 = arith.maximumf %slice3A_146, %max3A_145 : vector<1024x128xf32>
      %slice3A_152 = vector.extract_strided_slice %scan3A_119 {offsets = [0, 640], sizes = [1024, 128], strides = [1, 1]} : vector<1024x2048xf32> to vector<1024x128xf32>
      %gt3A_153 = arith.cmpf ogt, %slice3A_152, %max3A_151 : vector<1024x128xf32>
      %jit3A_154 = arith.constant 5 : i32
      %broadcast_in_dim3A_155 = vector.broadcast %jit3A_154 : i32 to vector<1024x128xi32>
      %select_n3A_156 = arith.select %gt3A_153, %broadcast_in_dim3A_155, %select_n3A_150 : vector<1024x128xi1>, vector<1024x128xi32>
      %max3A_157 = arith.maximumf %slice3A_152, %max3A_151 : vector<1024x128xf32>
      %slice3A_158 = vector.extract_strided_slice %scan3A_119 {offsets = [0, 768], sizes = [1024, 128], strides = [1, 1]} : vector<1024x2048xf32> to vector<1024x128xf32>
      %gt3A_159 = arith.cmpf ogt, %slice3A_158, %max3A_157 : vector<1024x128xf32>
      %jit3A_160 = arith.constant 6 : i32
      %broadcast_in_dim3A_161 = vector.broadcast %jit3A_160 : i32 to vector<1024x128xi32>
      %select_n3A_162 = arith.select %gt3A_159, %broadcast_in_dim3A_161, %select_n3A_156 : vector<1024x128xi1>, vector<1024x128xi32>
      %max3A_163 = arith.maximumf %slice3A_158, %max3A_157 : vector<1024x128xf32>
      %slice3A_164 = vector.extract_strided_slice %scan3A_119 {offsets = [0, 896], sizes = [1024, 128], strides = [1, 1]} : vector<1024x2048xf32> to vector<1024x128xf32>
      %gt3A_165 = arith.cmpf ogt, %slice3A_164, %max3A_163 : vector<1024x128xf32>
      %jit3A_166 = arith.constant 7 : i32
      %broadcast_in_dim3A_167 = vector.broadcast %jit3A_166 : i32 to vector<1024x128xi32>
      %select_n3A_168 = arith.select %gt3A_165, %broadcast_in_dim3A_167, %select_n3A_162 : vector<1024x128xi1>, vector<1024x128xi32>
      %max3A_169 = arith.maximumf %slice3A_164, %max3A_163 : vector<1024x128xf32>
      %slice3A_170 = vector.extract_strided_slice %scan3A_119 {offsets = [0, 1024], sizes = [1024, 128], strides = [1, 1]} : vector<1024x2048xf32> to vector<1024x128xf32>
      %gt3A_171 = arith.cmpf ogt, %slice3A_170, %max3A_169 : vector<1024x128xf32>
      %jit3A_172 = arith.constant 8 : i32
      %broadcast_in_dim3A_173 = vector.broadcast %jit3A_172 : i32 to vector<1024x128xi32>
      %select_n3A_174 = arith.select %gt3A_171, %broadcast_in_dim3A_173, %select_n3A_168 : vector<1024x128xi1>, vector<1024x128xi32>
      %max3A_175 = arith.maximumf %slice3A_170, %max3A_169 : vector<1024x128xf32>
      %slice3A_176 = vector.extract_strided_slice %scan3A_119 {offsets = [0, 1152], sizes = [1024, 128], strides = [1, 1]} : vector<1024x2048xf32> to vector<1024x128xf32>
      %gt3A_177 = arith.cmpf ogt, %slice3A_176, %max3A_175 : vector<1024x128xf32>
      %jit3A_178 = arith.constant 9 : i32
      %broadcast_in_dim3A_179 = vector.broadcast %jit3A_178 : i32 to vector<1024x128xi32>
      %select_n3A_180 = arith.select %gt3A_177, %broadcast_in_dim3A_179, %select_n3A_174 : vector<1024x128xi1>, vector<1024x128xi32>
      %max3A_181 = arith.maximumf %slice3A_176, %max3A_175 : vector<1024x128xf32>
      %slice3A_182 = vector.extract_strided_slice %scan3A_119 {offsets = [0, 1280], sizes = [1024, 128], strides = [1, 1]} : vector<1024x2048xf32> to vector<1024x128xf32>
      %gt3A_183 = arith.cmpf ogt, %slice3A_182, %max3A_181 : vector<1024x128xf32>
      %jit3A_184 = arith.constant 10 : i32
      %broadcast_in_dim3A_185 = vector.broadcast %jit3A_184 : i32 to vector<1024x128xi32>
      %select_n3A_186 = arith.select %gt3A_183, %broadcast_in_dim3A_185, %select_n3A_180 : vector<1024x128xi1>, vector<1024x128xi32>
      %max3A_187 = arith.maximumf %slice3A_182, %max3A_181 : vector<1024x128xf32>
      %slice3A_188 = vector.extract_strided_slice %scan3A_119 {offsets = [0, 1408], sizes = [1024, 128], strides = [1, 1]} : vector<1024x2048xf32> to vector<1024x128xf32>
      %gt3A_189 = arith.cmpf ogt, %slice3A_188, %max3A_187 : vector<1024x128xf32>
      %jit3A_190 = arith.constant 11 : i32
      %broadcast_in_dim3A_191 = vector.broadcast %jit3A_190 : i32 to vector<1024x128xi32>
      %select_n3A_192 = arith.select %gt3A_189, %broadcast_in_dim3A_191, %select_n3A_186 : vector<1024x128xi1>, vector<1024x128xi32>
      %max3A_193 = arith.maximumf %slice3A_188, %max3A_187 : vector<1024x128xf32>
      %slice3A_194 = vector.extract_strided_slice %scan3A_119 {offsets = [0, 1536], sizes = [1024, 128], strides = [1, 1]} : vector<1024x2048xf32> to vector<1024x128xf32>
      %gt3A_195 = arith.cmpf ogt, %slice3A_194, %max3A_193 : vector<1024x128xf32>
      %jit3A_196 = arith.constant 12 : i32
      %broadcast_in_dim3A_197 = vector.broadcast %jit3A_196 : i32 to vector<1024x128xi32>
      %select_n3A_198 = arith.select %gt3A_195, %broadcast_in_dim3A_197, %select_n3A_192 : vector<1024x128xi1>, vector<1024x128xi32>
      %max3A_199 = arith.maximumf %slice3A_194, %max3A_193 : vector<1024x128xf32>
      %slice3A_200 = vector.extract_strided_slice %scan3A_119 {offsets = [0, 1664], sizes = [1024, 128], strides = [1, 1]} : vector<1024x2048xf32> to vector<1024x128xf32>
      %gt3A_201 = arith.cmpf ogt, %slice3A_200, %max3A_199 : vector<1024x128xf32>
      %jit3A_202 = arith.constant 13 : i32
      %broadcast_in_dim3A_203 = vector.broadcast %jit3A_202 : i32 to vector<1024x128xi32>
      %select_n3A_204 = arith.select %gt3A_201, %broadcast_in_dim3A_203, %select_n3A_198 : vector<1024x128xi1>, vector<1024x128xi32>
      %max3A_205 = arith.maximumf %slice3A_200, %max3A_199 : vector<1024x128xf32>
      %slice3A_206 = vector.extract_strided_slice %scan3A_119 {offsets = [0, 1792], sizes = [1024, 128], strides = [1, 1]} : vector<1024x2048xf32> to vector<1024x128xf32>
      %gt3A_207 = arith.cmpf ogt, %slice3A_206, %max3A_205 : vector<1024x128xf32>
      %jit3A_208 = arith.constant 14 : i32
      %broadcast_in_dim3A_209 = vector.broadcast %jit3A_208 : i32 to vector<1024x128xi32>
      %select_n3A_210 = arith.select %gt3A_207, %broadcast_in_dim3A_209, %select_n3A_204 : vector<1024x128xi1>, vector<1024x128xi32>
      %max3A_211 = arith.maximumf %slice3A_206, %max3A_205 : vector<1024x128xf32>
      %slice3A_212 = vector.extract_strided_slice %scan3A_119 {offsets = [0, 1920], sizes = [1024, 128], strides = [1, 1]} : vector<1024x2048xf32> to vector<1024x128xf32>
      %gt3A_213 = arith.cmpf ogt, %slice3A_212, %max3A_211 : vector<1024x128xf32>
      %jit3A_214 = arith.constant 15 : i32
      %broadcast_in_dim3A_215 = vector.broadcast %jit3A_214 : i32 to vector<1024x128xi32>
      %select_n3A_216 = arith.select %gt3A_213, %broadcast_in_dim3A_215, %select_n3A_210 : vector<1024x128xi1>, vector<1024x128xi32>
      %max3A_217 = arith.maximumf %slice3A_212, %max3A_211 : vector<1024x128xf32>
      %reduce_max3A = arith.constant dense<0xFF800000> : vector<1024xf32>
      %reduce_max3A_218 = vector.multi_reduction <maximumf>, %max3A_217, %reduce_max3A [1] : vector<1024x128xf32> to vector<1024xf32>
      %broadcast_in_dim3A_219 = vector.shape_cast %reduce_max3A_218 : vector<1024xf32> to vector<1024x1xf32>
      %mul3A_220 = arith.constant 128 : i32
      %mul3A_221 = vector.broadcast %mul3A_220 : i32 to vector<1024x128xi32>
      %mul3A_222 = arith.muli %select_n3A_216, %mul3A_221 : vector<1024x128xi32>
      %add3A_223 = arith.addi %mul3A_222, %iota3A_98 : vector<1024x128xi32>
      %eq3A_224 = vector.broadcast %broadcast_in_dim3A_219 : vector<1024x1xf32> to vector<1024x128xf32>
      %eq3A_225 = arith.cmpf oeq, %max3A_217, %eq3A_224 : vector<1024x128xf32>
      %jit3A_226 = arith.constant 2048 : i32
      %broadcast_in_dim3A_227 = vector.broadcast %jit3A_226 : i32 to vector<1024x128xi32>
      %select_n3A_228 = arith.select %eq3A_225, %add3A_223, %broadcast_in_dim3A_227 : vector<1024x128xi1>, vector<1024x128xi32>
      %reduce_min3A = arith.constant dense<2147483647> : vector<1024xi32>
      %reduce_min3A_229 = vector.multi_reduction <minsi>, %select_n3A_228, %reduce_min3A [1] : vector<1024x128xi32> to vector<1024xi32>
      %broadcast_in_dim3A_230 = vector.shape_cast %reduce_min3A_229 : vector<1024xi32> to vector<1024x1xi32>
      %shift_right_arithmetic3A = arith.constant 7 : i32
      %shift_right_arithmetic3A_231 = vector.broadcast %shift_right_arithmetic3A : i32 to vector<1024x1xi32>
      %shift_right_arithmetic3A_232 = arith.shrsi %broadcast_in_dim3A_230, %shift_right_arithmetic3A_231 : vector<1024x1xi32>
      %and3A_233 = arith.constant 127 : i32
      %and3A_234 = vector.broadcast %and3A_233 : i32 to vector<1024x1xi32>
      %and3A_235 = arith.andi %broadcast_in_dim3A_230, %and3A_234 : vector<1024x1xi32>
      %iota3A_236 = tpu.iota {dimensions = array<i32: 1>} : vector<1024x16xi32>
      %eq3A_237 = vector.broadcast %shift_right_arithmetic3A_232 : vector<1024x1xi32> to vector<1024x16xi32>
      %eq3A_238 = arith.cmpi eq, %iota3A_236, %eq3A_237 : vector<1024x16xi32>
      %convert_element_type3A_239 = arith.extui %eq3A_238 : vector<1024x16xi1> to vector<1024x16xi32>
      %convert_element_type3A_240 = arith.sitofp %convert_element_type3A_239 : vector<1024x16xi32> to vector<1024x16xf32>
      %convert_element_type3A_241 = arith.truncf %convert_element_type3A_240 : vector<1024x16xf32> to vector<1024x16xbf16>
      %dot_general3A_242 = arith.constant dense<0.000000e+00> : vector<1024x384xf32>
      %dot_general3A_243 = tpu.matmul %convert_element_type3A_241, %get3A_35, %dot_general3A_242 {dimension_numbers = #tpu.dot_dimension_numbers<[1], [0], [0], [1], [0, 0, 1, 1], [], []>, transpose_lhs_hint = false} : vector<1024x16xbf16>, vector<16x384xbf16>, vector<1024x384xf32> -> vector<1024x384xf32>
      %dot_general3A_244 = arith.constant dense<0.000000e+00> : vector<1024x384xf32>
      %dot_general3A_245 = tpu.matmul %convert_element_type3A_241, %get3A_40, %dot_general3A_244 {dimension_numbers = #tpu.dot_dimension_numbers<[1], [0], [0], [1], [0, 0, 1, 1], [], []>, transpose_lhs_hint = false} : vector<1024x16xbf16>, vector<16x384xbf16>, vector<1024x384xf32> -> vector<1024x384xf32>
      %dot_general3A_246 = arith.constant dense<0.000000e+00> : vector<1024x384xf32>
      %dot_general3A_247 = tpu.matmul %convert_element_type3A_241, %get3A_45, %dot_general3A_246 {dimension_numbers = #tpu.dot_dimension_numbers<[1], [0], [0], [1], [0, 0, 1, 1], [], []>, transpose_lhs_hint = false} : vector<1024x16xbf16>, vector<16x384xbf16>, vector<1024x384xf32> -> vector<1024x384xf32>
      %add3A_248 = arith.addf %dot_general3A_243, %dot_general3A_245 : vector<1024x384xf32>
      %add3A_249 = arith.addf %add3A_248, %dot_general3A_247 : vector<1024x384xf32>
      %iota3A_250 = tpu.iota {dimensions = array<i32: 1>} : vector<1024x128xi32>
      %eq3A_251 = vector.broadcast %and3A_235 : vector<1024x1xi32> to vector<1024x128xi32>
      %eq3A_252 = arith.cmpi eq, %iota3A_250, %eq3A_251 : vector<1024x128xi32>
      %slice3A_253 = vector.extract_strided_slice %add3A_249 {offsets = [0, 0], sizes = [1024, 128], strides = [1, 1]} : vector<1024x384xf32> to vector<1024x128xf32>
      %jit3A_254 = arith.constant -3.000000e+38 : f32
      %broadcast_in_dim3A_255 = vector.broadcast %jit3A_254 : f32 to vector<1024x128xf32>
      %select_n3A_256 = arith.select %eq3A_252, %slice3A_253, %broadcast_in_dim3A_255 : vector<1024x128xi1>, vector<1024x128xf32>
      %reduce_max3A_257 = arith.constant dense<0xFF800000> : vector<1024xf32>
      %reduce_max3A_258 = vector.multi_reduction <maximumf>, %select_n3A_256, %reduce_max3A_257 [1] : vector<1024x128xf32> to vector<1024xf32>
      %broadcast_in_dim3A_259 = vector.shape_cast %reduce_max3A_258 : vector<1024xf32> to vector<1024x1xf32>
      %slice3A_260 = vector.extract_strided_slice %add3A_249 {offsets = [0, 128], sizes = [1024, 128], strides = [1, 1]} : vector<1024x384xf32> to vector<1024x128xf32>
      %jit3A_261 = arith.constant -3.000000e+38 : f32
      %broadcast_in_dim3A_262 = vector.broadcast %jit3A_261 : f32 to vector<1024x128xf32>
      %select_n3A_263 = arith.select %eq3A_252, %slice3A_260, %broadcast_in_dim3A_262 : vector<1024x128xi1>, vector<1024x128xf32>
      %reduce_max3A_264 = arith.constant dense<0xFF800000> : vector<1024xf32>
      %reduce_max3A_265 = vector.multi_reduction <maximumf>, %select_n3A_263, %reduce_max3A_264 [1] : vector<1024x128xf32> to vector<1024xf32>
      %broadcast_in_dim3A_266 = vector.shape_cast %reduce_max3A_265 : vector<1024xf32> to vector<1024x1xf32>
      %slice3A_267 = vector.extract_strided_slice %add3A_249 {offsets = [0, 256], sizes = [1024, 128], strides = [1, 1]} : vector<1024x384xf32> to vector<1024x128xf32>
      %jit3A_268 = arith.constant -3.000000e+38 : f32
      %broadcast_in_dim3A_269 = vector.broadcast %jit3A_268 : f32 to vector<1024x128xf32>
      %select_n3A_270 = arith.select %eq3A_252, %slice3A_267, %broadcast_in_dim3A_269 : vector<1024x128xi1>, vector<1024x128xf32>
      %reduce_max3A_271 = arith.constant dense<0xFF800000> : vector<1024xf32>
      %reduce_max3A_272 = vector.multi_reduction <maximumf>, %select_n3A_270, %reduce_max3A_271 [1] : vector<1024x128xf32> to vector<1024xf32>
      %broadcast_in_dim3A_273 = vector.shape_cast %reduce_max3A_272 : vector<1024xf32> to vector<1024x1xf32>
      %concatenate3A = tpu.concatenate %broadcast_in_dim3A_259, %broadcast_in_dim3A_266, %broadcast_in_dim3A_273 in 1 : vector<1024x1xf32>, vector<1024x1xf32>, vector<1024x1xf32> -> vector<1024x3xf32>
      %sub3A_274 = arith.subf %concatenate3A, %get3A_9 : vector<1024x3xf32>
      %eq3A_275 = vector.broadcast %broadcast_in_dim3A_230 : vector<1024x1xi32> to vector<1024x2048xi32>
      %eq3A_276 = arith.cmpi eq, %iota3A, %eq3A_275 : vector<1024x2048xi32>
      %jit3A_277 = arith.constant -3.000000e+38 : f32
      %broadcast_in_dim3A_278 = vector.broadcast %jit3A_277 : f32 to vector<1024x2048xf32>
      %select_n3A_279 = arith.select %eq3A_276, %broadcast_in_dim3A_278, %scan3A_119 : vector<1024x2048xi1>, vector<1024x2048xf32>
      %broadcast_in_dim3A_280 = arith.constant -3.000000e+38 : f32
      %broadcast_in_dim3A_281 = vector.broadcast %broadcast_in_dim3A_280 : f32 to vector<1024x128xf32>
      %broadcast_in_dim3A_282 = arith.constant 0 : i32
      %broadcast_in_dim3A_283 = vector.broadcast %broadcast_in_dim3A_282 : i32 to vector<1024x128xi32>
      %slice3A_284 = vector.extract_strided_slice %scan3A_120 {offsets = [0, 0], sizes = [1024, 128], strides = [1, 1]} : vector<1024x2048xf32> to vector<1024x128xf32>
      %gt3A_285 = arith.cmpf ogt, %slice3A_284, %broadcast_in_dim3A_281 : vector<1024x128xf32>
      %jit3A_286 = arith.constant 0 : i32
      %broadcast_in_dim3A_287 = vector.broadcast %jit3A_286 : i32 to vector<1024x128xi32>
      %select_n3A_288 = arith.select %gt3A_285, %broadcast_in_dim3A_287, %broadcast_in_dim3A_283 : vector<1024x128xi1>, vector<1024x128xi32>
      %max3A_289 = arith.maximumf %slice3A_284, %broadcast_in_dim3A_281 : vector<1024x128xf32>
      %slice3A_290 = vector.extract_strided_slice %scan3A_120 {offsets = [0, 128], sizes = [1024, 128], strides = [1, 1]} : vector<1024x2048xf32> to vector<1024x128xf32>
      %gt3A_291 = arith.cmpf ogt, %slice3A_290, %max3A_289 : vector<1024x128xf32>
      %jit3A_292 = arith.constant 1 : i32
      %broadcast_in_dim3A_293 = vector.broadcast %jit3A_292 : i32 to vector<1024x128xi32>
      %select_n3A_294 = arith.select %gt3A_291, %broadcast_in_dim3A_293, %select_n3A_288 : vector<1024x128xi1>, vector<1024x128xi32>
      %max3A_295 = arith.maximumf %slice3A_290, %max3A_289 : vector<1024x128xf32>
      %slice3A_296 = vector.extract_strided_slice %scan3A_120 {offsets = [0, 256], sizes = [1024, 128], strides = [1, 1]} : vector<1024x2048xf32> to vector<1024x128xf32>
      %gt3A_297 = arith.cmpf ogt, %slice3A_296, %max3A_295 : vector<1024x128xf32>
      %jit3A_298 = arith.constant 2 : i32
      %broadcast_in_dim3A_299 = vector.broadcast %jit3A_298 : i32 to vector<1024x128xi32>
      %select_n3A_300 = arith.select %gt3A_297, %broadcast_in_dim3A_299, %select_n3A_294 : vector<1024x128xi1>, vector<1024x128xi32>
      %max3A_301 = arith.maximumf %slice3A_296, %max3A_295 : vector<1024x128xf32>
      %slice3A_302 = vector.extract_strided_slice %scan3A_120 {offsets = [0, 384], sizes = [1024, 128], strides = [1, 1]} : vector<1024x2048xf32> to vector<1024x128xf32>
      %gt3A_303 = arith.cmpf ogt, %slice3A_302, %max3A_301 : vector<1024x128xf32>
      %jit3A_304 = arith.constant 3 : i32
      %broadcast_in_dim3A_305 = vector.broadcast %jit3A_304 : i32 to vector<1024x128xi32>
      %select_n3A_306 = arith.select %gt3A_303, %broadcast_in_dim3A_305, %select_n3A_300 : vector<1024x128xi1>, vector<1024x128xi32>
      %max3A_307 = arith.maximumf %slice3A_302, %max3A_301 : vector<1024x128xf32>
      %slice3A_308 = vector.extract_strided_slice %scan3A_120 {offsets = [0, 512], sizes = [1024, 128], strides = [1, 1]} : vector<1024x2048xf32> to vector<1024x128xf32>
      %gt3A_309 = arith.cmpf ogt, %slice3A_308, %max3A_307 : vector<1024x128xf32>
      %jit3A_310 = arith.constant 4 : i32
      %broadcast_in_dim3A_311 = vector.broadcast %jit3A_310 : i32 to vector<1024x128xi32>
      %select_n3A_312 = arith.select %gt3A_309, %broadcast_in_dim3A_311, %select_n3A_306 : vector<1024x128xi1>, vector<1024x128xi32>
      %max3A_313 = arith.maximumf %slice3A_308, %max3A_307 : vector<1024x128xf32>
      %slice3A_314 = vector.extract_strided_slice %scan3A_120 {offsets = [0, 640], sizes = [1024, 128], strides = [1, 1]} : vector<1024x2048xf32> to vector<1024x128xf32>
      %gt3A_315 = arith.cmpf ogt, %slice3A_314, %max3A_313 : vector<1024x128xf32>
      %jit3A_316 = arith.constant 5 : i32
      %broadcast_in_dim3A_317 = vector.broadcast %jit3A_316 : i32 to vector<1024x128xi32>
      %select_n3A_318 = arith.select %gt3A_315, %broadcast_in_dim3A_317, %select_n3A_312 : vector<1024x128xi1>, vector<1024x128xi32>
      %max3A_319 = arith.maximumf %slice3A_314, %max3A_313 : vector<1024x128xf32>
      %slice3A_320 = vector.extract_strided_slice %scan3A_120 {offsets = [0, 768], sizes = [1024, 128], strides = [1, 1]} : vector<1024x2048xf32> to vector<1024x128xf32>
      %gt3A_321 = arith.cmpf ogt, %slice3A_320, %max3A_319 : vector<1024x128xf32>
      %jit3A_322 = arith.constant 6 : i32
      %broadcast_in_dim3A_323 = vector.broadcast %jit3A_322 : i32 to vector<1024x128xi32>
      %select_n3A_324 = arith.select %gt3A_321, %broadcast_in_dim3A_323, %select_n3A_318 : vector<1024x128xi1>, vector<1024x128xi32>
      %max3A_325 = arith.maximumf %slice3A_320, %max3A_319 : vector<1024x128xf32>
      %slice3A_326 = vector.extract_strided_slice %scan3A_120 {offsets = [0, 896], sizes = [1024, 128], strides = [1, 1]} : vector<1024x2048xf32> to vector<1024x128xf32>
      %gt3A_327 = arith.cmpf ogt, %slice3A_326, %max3A_325 : vector<1024x128xf32>
      %jit3A_328 = arith.constant 7 : i32
      %broadcast_in_dim3A_329 = vector.broadcast %jit3A_328 : i32 to vector<1024x128xi32>
      %select_n3A_330 = arith.select %gt3A_327, %broadcast_in_dim3A_329, %select_n3A_324 : vector<1024x128xi1>, vector<1024x128xi32>
      %max3A_331 = arith.maximumf %slice3A_326, %max3A_325 : vector<1024x128xf32>
      %slice3A_332 = vector.extract_strided_slice %scan3A_120 {offsets = [0, 1024], sizes = [1024, 128], strides = [1, 1]} : vector<1024x2048xf32> to vector<1024x128xf32>
      %gt3A_333 = arith.cmpf ogt, %slice3A_332, %max3A_331 : vector<1024x128xf32>
      %jit3A_334 = arith.constant 8 : i32
      %broadcast_in_dim3A_335 = vector.broadcast %jit3A_334 : i32 to vector<1024x128xi32>
      %select_n3A_336 = arith.select %gt3A_333, %broadcast_in_dim3A_335, %select_n3A_330 : vector<1024x128xi1>, vector<1024x128xi32>
      %max3A_337 = arith.maximumf %slice3A_332, %max3A_331 : vector<1024x128xf32>
      %slice3A_338 = vector.extract_strided_slice %scan3A_120 {offsets = [0, 1152], sizes = [1024, 128], strides = [1, 1]} : vector<1024x2048xf32> to vector<1024x128xf32>
      %gt3A_339 = arith.cmpf ogt, %slice3A_338, %max3A_337 : vector<1024x128xf32>
      %jit3A_340 = arith.constant 9 : i32
      %broadcast_in_dim3A_341 = vector.broadcast %jit3A_340 : i32 to vector<1024x128xi32>
      %select_n3A_342 = arith.select %gt3A_339, %broadcast_in_dim3A_341, %select_n3A_336 : vector<1024x128xi1>, vector<1024x128xi32>
      %max3A_343 = arith.maximumf %slice3A_338, %max3A_337 : vector<1024x128xf32>
      %slice3A_344 = vector.extract_strided_slice %scan3A_120 {offsets = [0, 1280], sizes = [1024, 128], strides = [1, 1]} : vector<1024x2048xf32> to vector<1024x128xf32>
      %gt3A_345 = arith.cmpf ogt, %slice3A_344, %max3A_343 : vector<1024x128xf32>
      %jit3A_346 = arith.constant 10 : i32
      %broadcast_in_dim3A_347 = vector.broadcast %jit3A_346 : i32 to vector<1024x128xi32>
      %select_n3A_348 = arith.select %gt3A_345, %broadcast_in_dim3A_347, %select_n3A_342 : vector<1024x128xi1>, vector<1024x128xi32>
      %max3A_349 = arith.maximumf %slice3A_344, %max3A_343 : vector<1024x128xf32>
      %slice3A_350 = vector.extract_strided_slice %scan3A_120 {offsets = [0, 1408], sizes = [1024, 128], strides = [1, 1]} : vector<1024x2048xf32> to vector<1024x128xf32>
      %gt3A_351 = arith.cmpf ogt, %slice3A_350, %max3A_349 : vector<1024x128xf32>
      %jit3A_352 = arith.constant 11 : i32
      %broadcast_in_dim3A_353 = vector.broadcast %jit3A_352 : i32 to vector<1024x128xi32>
      %select_n3A_354 = arith.select %gt3A_351, %broadcast_in_dim3A_353, %select_n3A_348 : vector<1024x128xi1>, vector<1024x128xi32>
      %max3A_355 = arith.maximumf %slice3A_350, %max3A_349 : vector<1024x128xf32>
      %slice3A_356 = vector.extract_strided_slice %scan3A_120 {offsets = [0, 1536], sizes = [1024, 128], strides = [1, 1]} : vector<1024x2048xf32> to vector<1024x128xf32>
      %gt3A_357 = arith.cmpf ogt, %slice3A_356, %max3A_355 : vector<1024x128xf32>
      %jit3A_358 = arith.constant 12 : i32
      %broadcast_in_dim3A_359 = vector.broadcast %jit3A_358 : i32 to vector<1024x128xi32>
      %select_n3A_360 = arith.select %gt3A_357, %broadcast_in_dim3A_359, %select_n3A_354 : vector<1024x128xi1>, vector<1024x128xi32>
      %max3A_361 = arith.maximumf %slice3A_356, %max3A_355 : vector<1024x128xf32>
      %slice3A_362 = vector.extract_strided_slice %scan3A_120 {offsets = [0, 1664], sizes = [1024, 128], strides = [1, 1]} : vector<1024x2048xf32> to vector<1024x128xf32>
      %gt3A_363 = arith.cmpf ogt, %slice3A_362, %max3A_361 : vector<1024x128xf32>
      %jit3A_364 = arith.constant 13 : i32
      %broadcast_in_dim3A_365 = vector.broadcast %jit3A_364 : i32 to vector<1024x128xi32>
      %select_n3A_366 = arith.select %gt3A_363, %broadcast_in_dim3A_365, %select_n3A_360 : vector<1024x128xi1>, vector<1024x128xi32>
      %max3A_367 = arith.maximumf %slice3A_362, %max3A_361 : vector<1024x128xf32>
      %slice3A_368 = vector.extract_strided_slice %scan3A_120 {offsets = [0, 1792], sizes = [1024, 128], strides = [1, 1]} : vector<1024x2048xf32> to vector<1024x128xf32>
      %gt3A_369 = arith.cmpf ogt, %slice3A_368, %max3A_367 : vector<1024x128xf32>
      %jit3A_370 = arith.constant 14 : i32
      %broadcast_in_dim3A_371 = vector.broadcast %jit3A_370 : i32 to vector<1024x128xi32>
      %select_n3A_372 = arith.select %gt3A_369, %broadcast_in_dim3A_371, %select_n3A_366 : vector<1024x128xi1>, vector<1024x128xi32>
      %max3A_373 = arith.maximumf %slice3A_368, %max3A_367 : vector<1024x128xf32>
      %slice3A_374 = vector.extract_strided_slice %scan3A_120 {offsets = [0, 1920], sizes = [1024, 128], strides = [1, 1]} : vector<1024x2048xf32> to vector<1024x128xf32>
      %gt3A_375 = arith.cmpf ogt, %slice3A_374, %max3A_373 : vector<1024x128xf32>
      %jit3A_376 = arith.constant 15 : i32
      %broadcast_in_dim3A_377 = vector.broadcast %jit3A_376 : i32 to vector<1024x128xi32>
      %select_n3A_378 = arith.select %gt3A_375, %broadcast_in_dim3A_377, %select_n3A_372 : vector<1024x128xi1>, vector<1024x128xi32>
      %max3A_379 = arith.maximumf %slice3A_374, %max3A_373 : vector<1024x128xf32>
      %reduce_max3A_380 = arith.constant dense<0xFF800000> : vector<1024xf32>
      %reduce_max3A_381 = vector.multi_reduction <maximumf>, %max3A_379, %reduce_max3A_380 [1] : vector<1024x128xf32> to vector<1024xf32>
      %broadcast_in_dim3A_382 = vector.shape_cast %reduce_max3A_381 : vector<1024xf32> to vector<1024x1xf32>
      %mul3A_383 = arith.constant 128 : i32
      %mul3A_384 = vector.broadcast %mul3A_383 : i32 to vector<1024x128xi32>
      %mul3A_385 = arith.muli %select_n3A_378, %mul3A_384 : vector<1024x128xi32>
      %add3A_386 = arith.addi %mul3A_385, %iota3A_98 : vector<1024x128xi32>
      %eq3A_387 = vector.broadcast %broadcast_in_dim3A_382 : vector<1024x1xf32> to vector<1024x128xf32>
      %eq3A_388 = arith.cmpf oeq, %max3A_379, %eq3A_387 : vector<1024x128xf32>
      %jit3A_389 = arith.constant 2048 : i32
      %broadcast_in_dim3A_390 = vector.broadcast %jit3A_389 : i32 to vector<1024x128xi32>
      %select_n3A_391 = arith.select %eq3A_388, %add3A_386, %broadcast_in_dim3A_390 : vector<1024x128xi1>, vector<1024x128xi32>
      %reduce_min3A_392 = arith.constant dense<2147483647> : vector<1024xi32>
      %reduce_min3A_393 = vector.multi_reduction <minsi>, %select_n3A_391, %reduce_min3A_392 [1] : vector<1024x128xi32> to vector<1024xi32>
      %broadcast_in_dim3A_394 = vector.shape_cast %reduce_min3A_393 : vector<1024xi32> to vector<1024x1xi32>
      %shift_right_arithmetic3A_395 = arith.constant 7 : i32
      %shift_right_arithmetic3A_396 = vector.broadcast %shift_right_arithmetic3A_395 : i32 to vector<1024x1xi32>
      %shift_right_arithmetic3A_397 = arith.shrsi %broadcast_in_dim3A_394, %shift_right_arithmetic3A_396 : vector<1024x1xi32>
      %and3A_398 = arith.constant 127 : i32
      %and3A_399 = vector.broadcast %and3A_398 : i32 to vector<1024x1xi32>
      %and3A_400 = arith.andi %broadcast_in_dim3A_394, %and3A_399 : vector<1024x1xi32>
      %iota3A_401 = tpu.iota {dimensions = array<i32: 1>} : vector<1024x16xi32>
      %eq3A_402 = vector.broadcast %shift_right_arithmetic3A_397 : vector<1024x1xi32> to vector<1024x16xi32>
      %eq3A_403 = arith.cmpi eq, %iota3A_401, %eq3A_402 : vector<1024x16xi32>
      %convert_element_type3A_404 = arith.extui %eq3A_403 : vector<1024x16xi1> to vector<1024x16xi32>
      %convert_element_type3A_405 = arith.sitofp %convert_element_type3A_404 : vector<1024x16xi32> to vector<1024x16xf32>
      %convert_element_type3A_406 = arith.truncf %convert_element_type3A_405 : vector<1024x16xf32> to vector<1024x16xbf16>
      %dot_general3A_407 = arith.constant dense<0.000000e+00> : vector<1024x384xf32>
      %dot_general3A_408 = tpu.matmul %convert_element_type3A_406, %get3A_87, %dot_general3A_407 {dimension_numbers = #tpu.dot_dimension_numbers<[1], [0], [0], [1], [0, 0, 1, 1], [], []>, transpose_lhs_hint = false} : vector<1024x16xbf16>, vector<16x384xbf16>, vector<1024x384xf32> -> vector<1024x384xf32>
      %dot_general3A_409 = arith.constant dense<0.000000e+00> : vector<1024x384xf32>
      %dot_general3A_410 = tpu.matmul %convert_element_type3A_406, %get3A_92, %dot_general3A_409 {dimension_numbers = #tpu.dot_dimension_numbers<[1], [0], [0], [1], [0, 0, 1, 1], [], []>, transpose_lhs_hint = false} : vector<1024x16xbf16>, vector<16x384xbf16>, vector<1024x384xf32> -> vector<1024x384xf32>
      %dot_general3A_411 = arith.constant dense<0.000000e+00> : vector<1024x384xf32>
      %dot_general3A_412 = tpu.matmul %convert_element_type3A_406, %get3A_97, %dot_general3A_411 {dimension_numbers = #tpu.dot_dimension_numbers<[1], [0], [0], [1], [0, 0, 1, 1], [], []>, transpose_lhs_hint = false} : vector<1024x16xbf16>, vector<16x384xbf16>, vector<1024x384xf32> -> vector<1024x384xf32>
      %add3A_413 = arith.addf %dot_general3A_408, %dot_general3A_410 : vector<1024x384xf32>
      %add3A_414 = arith.addf %add3A_413, %dot_general3A_412 : vector<1024x384xf32>
      %iota3A_415 = tpu.iota {dimensions = array<i32: 1>} : vector<1024x128xi32>
      %eq3A_416 = vector.broadcast %and3A_400 : vector<1024x1xi32> to vector<1024x128xi32>
      %eq3A_417 = arith.cmpi eq, %iota3A_415, %eq3A_416 : vector<1024x128xi32>
      %slice3A_418 = vector.extract_strided_slice %add3A_414 {offsets = [0, 0], sizes = [1024, 128], strides = [1, 1]} : vector<1024x384xf32> to vector<1024x128xf32>
      %jit3A_419 = arith.constant -3.000000e+38 : f32
      %broadcast_in_dim3A_420 = vector.broadcast %jit3A_419 : f32 to vector<1024x128xf32>
      %select_n3A_421 = arith.select %eq3A_417, %slice3A_418, %broadcast_in_dim3A_420 : vector<1024x128xi1>, vector<1024x128xf32>
      %reduce_max3A_422 = arith.constant dense<0xFF800000> : vector<1024xf32>
      %reduce_max3A_423 = vector.multi_reduction <maximumf>, %select_n3A_421, %reduce_max3A_422 [1] : vector<1024x128xf32> to vector<1024xf32>
      %broadcast_in_dim3A_424 = vector.shape_cast %reduce_max3A_423 : vector<1024xf32> to vector<1024x1xf32>
      %slice3A_425 = vector.extract_strided_slice %add3A_414 {offsets = [0, 128], sizes = [1024, 128], strides = [1, 1]} : vector<1024x384xf32> to vector<1024x128xf32>
      %jit3A_426 = arith.constant -3.000000e+38 : f32
      %broadcast_in_dim3A_427 = vector.broadcast %jit3A_426 : f32 to vector<1024x128xf32>
      %select_n3A_428 = arith.select %eq3A_417, %slice3A_425, %broadcast_in_dim3A_427 : vector<1024x128xi1>, vector<1024x128xf32>
      %reduce_max3A_429 = arith.constant dense<0xFF800000> : vector<1024xf32>
      %reduce_max3A_430 = vector.multi_reduction <maximumf>, %select_n3A_428, %reduce_max3A_429 [1] : vector<1024x128xf32> to vector<1024xf32>
      %broadcast_in_dim3A_431 = vector.shape_cast %reduce_max3A_430 : vector<1024xf32> to vector<1024x1xf32>
      %slice3A_432 = vector.extract_strided_slice %add3A_414 {offsets = [0, 256], sizes = [1024, 128], strides = [1, 1]} : vector<1024x384xf32> to vector<1024x128xf32>
      %jit3A_433 = arith.constant -3.000000e+38 : f32
      %broadcast_in_dim3A_434 = vector.broadcast %jit3A_433 : f32 to vector<1024x128xf32>
      %select_n3A_435 = arith.select %eq3A_417, %slice3A_432, %broadcast_in_dim3A_434 : vector<1024x128xi1>, vector<1024x128xf32>
      %reduce_max3A_436 = arith.constant dense<0xFF800000> : vector<1024xf32>
      %reduce_max3A_437 = vector.multi_reduction <maximumf>, %select_n3A_435, %reduce_max3A_436 [1] : vector<1024x128xf32> to vector<1024xf32>
      %broadcast_in_dim3A_438 = vector.shape_cast %reduce_max3A_437 : vector<1024xf32> to vector<1024x1xf32>
      %concatenate3A_439 = tpu.concatenate %broadcast_in_dim3A_424, %broadcast_in_dim3A_431, %broadcast_in_dim3A_438 in 1 : vector<1024x1xf32>, vector<1024x1xf32>, vector<1024x1xf32> -> vector<1024x3xf32>
      %sub3A_440 = arith.subf %concatenate3A_439, %get3A_57 : vector<1024x3xf32>
      %eq3A_441 = vector.broadcast %broadcast_in_dim3A_394 : vector<1024x1xi32> to vector<1024x2048xi32>
      %eq3A_442 = arith.cmpi eq, %iota3A, %eq3A_441 : vector<1024x2048xi32>
      %jit3A_443 = arith.constant -3.000000e+38 : f32
      %broadcast_in_dim3A_444 = vector.broadcast %jit3A_443 : f32 to vector<1024x2048xf32>
      %select_n3A_445 = arith.select %eq3A_442, %broadcast_in_dim3A_444, %scan3A_120 : vector<1024x2048xi1>, vector<1024x2048xf32>
      %sub3A_446 = arith.subf %sub3A_440, %sub3A_274 : vector<1024x3xf32>
      %mul3A_447 = arith.mulf %sub3A_446, %sub3A_446 : vector<1024x3xf32>
      %reduce_sum3A_448 = arith.constant dense<0.000000e+00> : vector<1024xf32>
      %reduce_sum3A_449 = vector.multi_reduction <add>, %mul3A_447, %reduce_sum3A_448 [1] : vector<1024x3xf32> to vector<1024xf32>
      %broadcast_in_dim3A_450 = vector.shape_cast %reduce_sum3A_449 : vector<1024xf32> to vector<1024x1xf32>
      %add3A_451 = arith.addf %scan3A_121, %broadcast_in_dim3A_450 : vector<1024x1xf32>
      scf.yield %select_n3A_279, %select_n3A_445, %add3A_451 : vector<1024x2048xf32>, vector<1024x2048xf32>, vector<1024x1xf32>
    }
    %eq3A = arith.constant 0 : i32
    %eq3A_104 = arith.cmpi eq, %arg0, %eq3A : i32
    %eq3A_105 = arith.constant 0 : i32
    %eq3A_106 = arith.cmpi eq, %arg1, %eq3A_105 : i32
    %and3A = arith.andi %eq3A_104, %eq3A_106 : i1
    %convert_element_type3A = arith.extui %and3A : i1 to i32
    %cond3A = arith.constant 0 : i32
    %cond3A_107 = arith.cmpi ne, %convert_element_type3A, %cond3A : i32
    scf.if %cond3A_107 {
      %swap3A_118 = arith.constant 0.000000e+00 : f32
      %swap3A_119 = arith.constant 0 : index
      %swap3A_120 = arith.constant 0 : index
      %swap3A_121 = memref.load %arg12[%swap3A_119, %swap3A_120] : memref<1x1xf32, #tpu.memory_space<smem>>
      memref.store %swap3A_118, %arg12[%swap3A_119, %swap3A_120] : memref<1x1xf32, #tpu.memory_space<smem>>
    } else {
    }
    %get3A_108 = arith.constant 0 : index
    %get3A_109 = arith.constant 0 : index
    %get3A_110 = memref.load %arg12[%get3A_108, %get3A_109] : memref<1x1xf32, #tpu.memory_space<smem>>
    %reduce_sum3A = vector.shape_cast %scan3A_103#2 : vector<1024x1xf32> to vector<1x1024x1xf32>
    %reduce_sum3A_111 = arith.constant dense<0.000000e+00> : vector<1xf32>
    %reduce_sum3A_112 = vector.multi_reduction <add>, %reduce_sum3A, %reduce_sum3A_111 [1, 2] : vector<1x1024x1xf32> to vector<1xf32>
    %reduce_sum3A_113 = vector.shape_cast %reduce_sum3A_112 : vector<1xf32> to vector<1x1x1xf32>
    %reduce_sum3A_114 = vector.extract %reduce_sum3A_113[0, 0, 0] : f32 from vector<1x1x1xf32>
    %add3A_115 = arith.addf %get3A_110, %reduce_sum3A_114 : f32
    %swap3A = arith.constant 0 : index
    %swap3A_116 = arith.constant 0 : index
    %swap3A_117 = memref.load %arg12[%swap3A, %swap3A_116] : memref<1x1xf32, #tpu.memory_space<smem>>
    memref.store %add3A_115, %arg12[%swap3A, %swap3A_116] : memref<1x1xf32, #tpu.memory_space<smem>>
    return
  }
  func.func @transform_0(%arg0: i32, %arg1: i32) -> (i32, i32, i32) {
    %c0_i32 = arith.constant 0 : i32
    %c0_i32_0 = arith.constant 0 : i32
    %c0_i32_1 = arith.constant 0 : i32
    return %arg0, %c0_i32, %c0_i32_0 : i32, i32, i32
  }
  func.func @transform_1(%arg0: i32, %arg1: i32) -> (i32, i32, i32) {
    %c0_i32 = arith.constant 0 : i32
    %c0_i32_0 = arith.constant 0 : i32
    %c0_i32_1 = arith.constant 0 : i32
    return %arg0, %c0_i32, %c0_i32_0 : i32, i32, i32
  }
  func.func @transform_2(%arg0: i32, %arg1: i32) -> (i32, i32, i32) {
    %c0_i32 = arith.constant 0 : i32
    %c0_i32_0 = arith.constant 0 : i32
    %c0_i32_1 = arith.constant 0 : i32
    return %arg0, %c0_i32, %c0_i32_0 : i32, i32, i32
  }
  func.func @transform_3(%arg0: i32, %arg1: i32) -> (i32, i32, i32) {
    %c0_i32 = arith.constant 0 : i32
    %c0_i32_0 = arith.constant 0 : i32
    %c0_i32_1 = arith.constant 0 : i32
    return %arg0, %c0_i32, %c0_i32_0 : i32, i32, i32
  }
  func.func @transform_4(%arg0: i32, %arg1: i32) -> (i32, i32, i32) {
    %c0_i32 = arith.constant 0 : i32
    %c0_i32_0 = arith.constant 0 : i32
    %c0_i32_1 = arith.constant 0 : i32
    return %arg0, %c0_i32, %c0_i32_0 : i32, i32, i32
  }
  func.func @transform_5(%arg0: i32, %arg1: i32) -> (i32, i32, i32) {
    %c0_i32 = arith.constant 0 : i32
    %c0_i32_0 = arith.constant 0 : i32
    %c0_i32_1 = arith.constant 0 : i32
    return %arg0, %c0_i32, %c0_i32_0 : i32, i32, i32
  }
  func.func @transform_6(%arg0: i32, %arg1: i32) -> (i32, i32, i32) {
    %c0_i32 = arith.constant 0 : i32
    %c0_i32_0 = arith.constant 0 : i32
    %c0_i32_1 = arith.constant 0 : i32
    return %arg0, %c0_i32, %c0_i32_0 : i32, i32, i32
  }
  func.func @transform_7(%arg0: i32, %arg1: i32) -> (i32, i32, i32) {
    %c0_i32 = arith.constant 0 : i32
    %c0_i32_0 = arith.constant 0 : i32
    %c0_i32_1 = arith.constant 0 : i32
    return %arg0, %c0_i32, %c0_i32_0 : i32, i32, i32
  }
  func.func @transform_8(%arg0: i32, %arg1: i32) -> (i32, i32, i32) {
    %c0_i32 = arith.constant 0 : i32
    %c0_i32_0 = arith.constant 0 : i32
    %c0_i32_1 = arith.constant 0 : i32
    return %arg0, %c0_i32, %c0_i32_0 : i32, i32, i32
  }
  func.func @transform_9(%arg0: i32, %arg1: i32) -> (i32, i32, i32) {
    %c0_i32 = arith.constant 0 : i32
    %c0_i32_0 = arith.constant 0 : i32
    %c0_i32_1 = arith.constant 0 : i32
    return %arg0, %c0_i32, %c0_i32_0 : i32, i32, i32
  }
  func.func @transform_10(%arg0: i32, %arg1: i32) -> (i32, i32) {
    %c0_i32 = arith.constant 0 : i32
    %c0_i32_0 = arith.constant 0 : i32
    %c0_i32_1 = arith.constant 0 : i32
    return %c0_i32, %c0_i32_0 : i32, i32
  }
}

</mosaic_0001>

<sc_bundles>
// kernel: kernel.5.cloned.1.call-start
scs
__scs_entry_jumppad:
0x0: {  	(pc) =	sbr.rel $0x88, $3  }
0x1: {  	(tag) =	ssettag $0x0;
	lr =	simm.s32 $0x1  }
0x2: {  	[smem:$0x3F9F] =	sst lr;
	_ =	strace $0xD0000000  }
0x3: {  	_ = 	snop  }
0x4: {  	_ = 	snop  }
0x5: {  	_ = 	snop  }
0x6: {  	_ = 	snop  }
0x7: {  	_ = 	snop  }
__scs_overlays_trampoline_lowered:
0x8: {  	[smem:$0x3FAE] =	sst s0  }
0x9: {  	[smem:$0x3FAF] =	sst s1  }
0xa: {  	[smem:$0x3FB0] =	sst s2  }
0xb: {  	[smem:$0x3FB1] =	sst s3  }
0xc: {  	[smem:$0x3FB2] =	sst s4  }
0xd: {  	[smem:$0x3FB3] =	sst s5  }
0xe: {  	[smem:$0x3FB4] =	sst s6  }
0xf: {  	[smem:$0x3FB5] =	sst s7  }
0x10: {  	[smem:$0x3FB6] =	sst s8  }
0x11: {  	[smem:$0x3FB7] =	sst s9;
	s0 =	simm.s32 @!p0 $0x0  }
0x12: {  	s1 =	sld [smem:$0x3F9D];
	s0 =	simm.s32 @p0 $0x1  }
0x13: {  	[smem:$0x3FB8] =	sst s0;
	s0 =	simm.s32 @!p1 $0x0  }
0x14: {  	s2 =	sld [smem:$0x3F9C];
	s0 =	simm.s32 @p1 $0x1  }
0x15: {  	[smem:$0x3FB9] =	sst s0;
	s0 =	simm.s32 @!p2 $0x0  }
0x16: {  	s3 =	sld [smem:$0x3FDB];
	s0 =	simm.s32 @p2 $0x1  }
0x17: {  	s4 =	simm.s32 $0x1BF5;
	[smem:$0x3FBB] =	sst s0  }
0x18: {  	s0 =	sld [smem:$0x3F9E];
	_ =	swait.ge [sflag:s4], $0x0  }
0x19: {  	s7 =	sld [smem:$0x3F9F]  }
0x1a: {  	s8 =	sadd.s32 $0xFFFFE003, lr  }
0x1b: {  	s9 =	sadd.s32 $0xFFFFFEF7, lr;
	s5 =	simm.s32 $0xFFFFFFFF;
	p2 =	slt.u32 s8, $0xFFFFF086  }
0x1c: {  	p1 =	slt.u32 s9, $0xF7A;
	s5 =	simm.s32 @!p2 $0x0  }
0x1d: {  	s5 =	simm.s32 @p1 $0x1;
	p0 =	seq.s32 s7, s2  }
0x1e: {  	s7 =	smul.u32 @!p0 $0xF7A, s2;
	p2 =	seq.s32 @!p0 s5, $0x0  }
0x1f: {  	s9 =	smul.u32 $0xF7A, s1;
	s8 =	simm.s32 @!p0 $0x1BF5;
	p2 =	por !p2, p0  }
0x20: {  	[sflag:s8] =	ssyncset.s32 @!p0 $0xFFFFF086;
	s6 =	sadd.s32 @!p0 s3, s7;
	s7 =	simm.s32 @!p0 $0x108  }
0x21: {  	s3 =	sadd.s32 s3, s9;
	s6 =	sadd.s32 @!p0 $0x88, s6;
	s7 =	simm.s32 @p2 $0x1082  }
0x22: {  	[simem:s7], [sflag:s8] =	dma.local @!p0 [hbm:s6], $0xF7A  }
0x23: {  	s9 =	sor.u32 $0xD0000000, s2;
	s6 =	simm.s32 $0x108;
	_ =	swait.ge @!p0 [sflag:s8], $0x0  }
0x24: {  	s3 =	sadd.s32 $0x88, s3;
	s6 =	simm.s32 @!p1 $0x1082;
	[sflag:s4] =	ssyncset.s32 $0xFFFFF086  }
0x25: {  	[simem:s6], [sflag:s4] =	dma.local [hbm:s3], $0xF7A  }
0x26: {  	[smem:$0x3F9F] =	sst s1;
	(tag) =	ssettag s2;
	_ =	strace s9  }
0x27: {  	s1 =	sld [smem:$0x3FAF]  }
0x28: {  	s2 =	sld [smem:$0x3FB0]  }
0x29: {  	s4 =	sld [smem:$0x3FB2]  }
0x2a: {  	p0 =	seq.s32 s5, $0x0;
	s5 =	sld [smem:$0x3FB3]  }
0x2b: {  	s6 =	sld [smem:$0x3FB4]  }
0x2c: {  	s7 =	sld [smem:$0x3FB5]  }
0x2d: {  	s3 =	simm.s32 $0x108;
	s8 =	sld [smem:$0x3FB6]  }
0x2e: {  	s3 =	simm.s32 @!p0 $0x1082;
	s9 =	sld [smem:$0x3FB7]  }
0x2f: {  	lr =	sadd.s32 s0, s3;
	s0 =	sld [smem:$0x3FAE]  }
0x30: {  	s3 =	sld [smem:$0x3FB1]  }
0x31: {  	[smem:$0x3FBA] =	sst s10  }
0x32: {  	s10 =	sld [smem:$0x3FB8];
	_ =	sdelay $0x3  }
0x33: {  	p0 =	seq.s32 s10, $0x1;
	s10 =	sld [smem:$0x3FBA];
	_ =	sdelay $0x3  }
0x34: {  	[smem:$0x3FBA] =	sst s10  }
0x35: {  	s10 =	sld [smem:$0x3FB9];
	_ =	sdelay $0x3  }
0x36: {  	p1 =	seq.s32 s10, $0x1;
	s10 =	sld [smem:$0x3FBA];
	_ =	sdelay $0x3  }
0x37: {  	[smem:$0x3FBA] =	sst s10  }
0x38: {  	s10 =	sld [smem:$0x3FBB]  }
0x39: {  	_ = 	snop;
	(pc) =	sbr.ind lr, $3  }
0x3a: {  	_ = 	snop  }
0x3b: {  	_ = 	snop  }
0x3c: {  	p2 =	seq.s32 s10, $0x1;
	s10 =	sld [smem:$0x3FBA]  }
0x3d: {  	_ =	shalt  }
0x3e: {  	_ =	shalt  }
0x3f: {  	_ =	shalt  }
0x40: {  	_ =	shalt  }
0x41: {  	_ =	shalt  }
0x42: {  	_ =	shalt  }
0x43: {  	_ =	shalt  }
0x44: {  	_ =	shalt  }
0x45: {  	_ =	shalt  }
0x46: {  	_ =	shalt  }
0x47: {  	_ =	shalt  }
0x48: {  	_ =	shalt  }
0x49: {  	_ =	shalt  }
0x4a: {  	_ =	shalt  }
0x4b: {  	_ =	shalt  }
0x4c: {  	_ =	shalt  }
0x4d: {  	_ =	shalt  }
0x4e: {  	_ =	shalt  }
0x4f: {  	_ =	shalt  }
0x50: {  	_ =	shalt  }
0x51: {  	_ =	shalt  }
0x52: {  	_ =	shalt  }
0x53: {  	_ =	shalt  }
0x54: {  	_ =	shalt  }
0x55: {  	_ =	shalt  }
0x56: {  	_ =	shalt  }
0x57: {  	_ =	shalt  }
0x58: {  	_ =	shalt  }
0x59: {  	_ =	shalt  }
0x5a: {  	_ =	shalt  }
0x5b: {  	_ =	shalt  }
0x5c: {  	_ =	shalt  }
0x5d: {  	_ =	shalt  }
0x5e: {  	_ =	shalt  }
0x5f: {  	_ =	shalt  }
0x60: {  	_ =	shalt  }
0x61: {  	_ =	shalt  }
0x62: {  	_ =	shalt  }
0x63: {  	_ =	shalt  }
0x64: {  	_ =	shalt  }
0x65: {  	_ =	shalt  }
0x66: {  	_ =	shalt  }
0x67: {  	_ =	shalt  }
0x68: {  	_ =	shalt  }
0x69: {  	_ =	shalt  }
0x6a: {  	_ =	shalt  }
0x6b: {  	_ =	shalt  }
0x6c: {  	_ =	shalt  }
0x6d: {  	_ =	shalt  }
0x6e: {  	_ =	shalt  }
0x6f: {  	_ =	shalt  }
0x70: {  	_ =	shalt  }
0x71: {  	_ =	shalt  }
0x72: {  	_ =	shalt  }
0x73: {  	_ =	shalt  }
0x74: {  	_ =	shalt  }
0x75: {  	_ =	shalt  }
0x76: {  	_ =	shalt  }
0x77: {  	_ =	shalt  }
0x78: {  	_ =	shalt  }
0x79: {  	_ =	shalt  }
0x7a: {  	_ =	shalt  }
0x7b: {  	_ =	shalt  }
0x7c: {  	_ =	shalt  }
0x7d: {  	_ =	shalt  }
0x7e: {  	_ =	shalt  }
0x7f: {  	_ =	shalt  }
0x80: {  	_ =	shalt  }
0x81: {  	_ =	shalt  }
0x82: {  	_ =	shalt  }
0x83: {  	_ =	shalt  }
0x84: {  	_ =	shalt  }
0x85: {  	_ =	shalt  }
0x86: {  	_ =	shalt  }
0x87: {  	_ =	shalt  }
.Lfunc_end0:
.L_simem_size_0:
called_computation_lowered:
.L_overlay_start_0:
0x88: {  	s2 =	sld [smem:$0x3FD9]  }
0x89: {  	s3 =	sld [smem:$0x3FFE];
	_ =	sdelay $0x1  }
0x8a: {  	s1 =	srdreg.scid  }
0x8b: {  	s0 =	sand.u32 $0x1, s1  }
0x8c: {  	s16 =	sshll.u32 s0, $0xA;
	s2 =	sadd.s32 s3, s2  }
0x8d: {  	s2 =	sadd.s32 s2, s16  }
0x8e: {  	[smem:$0x3FC6] =	sst s2  }
0x8f: {  	_ = 	snop  }
0x90: {  	(tm) =	ssettm $0x1  }
0x91: {  	s17 =	sld [smem:$0x3FFB];
	_ =	sdelay $0x3  }
0x92: {  	_ =	strace s17  }
0x93: {  	s2 =	sld [smem:$0x3FFC];
	_ =	sdelay $0x3  }
0x94: {  	_ =	strace s2  }
0x95: {  	s2 =	sld [smem:$0x3FFD];
	_ =	sdelay $0x3  }
0x96: {  	_ =	strace s2  }
0x97: {  	_ =	strace $0x8FFFFFFF  }
0x98: {  	s18 =	sld [smem:$0x3FDB];
	_ =	sdelay $0x1  }
0x99: {  	s19 =	simm.s32 $_scs_section_size  }
0x9a: {  	s4 =	simm.s32 $_size__tile_overlayer_lowered;
	s5 =	simm.s32 $_tile_overlayer_lowered  }
0x9b: {  	s22 =	simm.s32 $0x1BFF;
	s21 =	sshll.u32 s5, $0x1;
	s2 =	sadd.s32 s19, s18  }
0x9c: {  	s6 =	simm.s32 $0x0;
	s20 =	sshll.u32 s4, $0x1;
	s4 =	sadd.s32 s21, s2  }
0x9d: {  	[timem:s6], [sflag:s22] =	dma.local [hbm:s4], s20  }
0x9e: {  	_ =	swait.ge [sflag:s22], s20  }
0x9f: {  	s3 =	ssub.s32 $0x0, s20;
	[sflag:s22] =	ssyncset.done $0x0  }
0xa0: {  	[sflag:s22] =	ssyncadd.s32 s3;
	_ =	sdelay $0x1  }
0xa1: {  	s23 =	simm.s32 $0x1B8B  }
0xa2: {  	_ =	swait.ge [sflag:s23], $0x1  }
0xa3: {  	[sflag:s23] =	ssyncset.done $0x0  }
0xa4: {  	s25 =	simm.s32 $0x1B8E;
	s24 =	sld [smem:$0x3FFE];
	[sflag:s23] =	ssyncadd.s32 $0xFFFFFFFF  }
0xa5: {  	s26 =	simm.s32 $execute0_lowered;
	[smem:$0x3FD2] =	sst s25  }
0xa6: {  	s4 =	sshll.u32 s26, $0x1;
	_ =	strace $0x80000046;
	[dreg:$0x1] =	wrdreg $0xFFFFFFFF  }
0xa7: {  	s28 =	simm.s32 $_size_execute0_lowered;
	s2 =	sadd.s32 s2, s4;
	[dreg:$0x0] =	wrdreg $0x0  }
0xa8: {  	s4 =	sshll.u32 s28, $0x1;
	[dreg:$0x2] =	wrdreg s2  }
0xa9: {  	[dreg:$0x3] =	wrdreg s4  }
0xaa: {  	[dreg:$0x4] =	wrdreg $0xC0  }
0xab: {  	_ =	task [dreg:s6], $0x5FFFF  }
0xac: {  	[dreg:$0x1] =	wrdreg $0xFFFFFFFF  }
0xad: {  	[dreg:$0x0] =	wrdreg $0x60  }
0xae: {  	[dreg:$0x2] =	wrdreg s24  }
0xaf: {  	[dreg:$0x3] =	wrdreg $0x9  }
0xb0: {  	_ =	task.clear_ibuf [dreg:s6], $0x4FFFF;
	_ =	strace $0x90000046  }
0xb1: {  	s29 =	simm.s32 $0x9;
	_ =	strace $0x80000048  }
0xb2: {  	_ =	swait.ge [sflag:s29], $0x1  }
0xb3: {  	[sflag:s29] =	ssyncadd.s32 $0xFFFFFFFF  }
0xb4: {  	_ =	strace $0x90000048  }
0xb5: {  	_ =	sfence  }
0xb6: {  	s30 =	sld [smem:$0x0];
	_ =	sdelay $0x2  }
0xb7: {  	s31 =	sshll.u32 s1, $0xD;
	s1 =	sshrl.u32 s1, $0x2  }
0xb8: {  	s3 =	sand.u32 $0x4000, s31;
	s1 =	sadd.s32 s1, s30  }
0xb9: {  	s0 =	sor.u32 s3, s0;
	s1 =	sshll.u32 s1, $0x11  }
0xba: {  	s0 =	sor.u32 s1, s0  }
0xbb: {  	s0 =	sadd.s32 $0x8F2B, s0  }
0xbc: {  	[sflag:s0] =	ssyncadd.remote.s32 $0x1  }
0xbd: {  	_ =	sfence.sel $0xFFFF  }
0xbe: {  	[dreg:$0x0] =	wrdreg $0xFFFFFFFF;
	(pc) =	sbr.abs _section_cstart, $3  }
0xbf: {  	[dreg:$0x1] =	wrdreg $0xFFFFFFFF  }
0xc0: {  	_ =	task.clear_ibuf [dreg:s6], $0x2FFFF;
	_ =	strace $0x9FFFFFFF  }
0xc1: {  	(tm) =	ssettm $0x7FFFFFFF  }
tec
execute0_lowered:
.L_overlay_start_1:
0x0: {  	(tag) =	ssettag $0x1  }
0x1: {  	s1 =	srdreg.scid  }
0x2: {  	s0 =	stileid.u32;
	s6 =	sand.u32 $0x1, s1  }
0x3: {  	s8 =	rddreg [dreg:$0x0];
	s30 =	sshll.u32 s0, $0x8;
	s2 =	sshll.u32 s6, $0x7  }
0x4: {  	s7 =	simm.s32 $0x1;
	s1 =	rddreg [dreg:$0x1];
	s9 =	sor.u32 s2, s30  }
0x5: {  	s5 =	sadd.s32 $0x800, s8;
	s2 =	simm.s32 $0x0;
	s3 =	sshrl.u32 s9, $0x3  }
0x6: {  	s10 =	ssub.s32 $0x2, s6;
	[smem:$0x7FF] =	sst s2;
	s3 =	sadd.s32 s3, s8  }
0x7: {  	_ =	strace $0x80000047;
	s4 =	sadd.s32 $0x600, s3;
	s3 =	simm.s32 $0x2  }
0x8: {  	[tilespmem:s2], [sflag:$0x2] =	stream.linear.gather [hbm4b:s4+s2], $0x80, $0x38;
	[tilespmem:$0x4080] =	vst v63  }
0x9: {  	s6 =	simm.s32 $0x80;
	s11 =	sshrl.u32 s10, $0x1;
	_ =	swait.ge [sflag:s3], $0x80  }
0xa: {  	s9 =	sshll.u32 s9, $0x4;
	s31 =	ssub.s32 s10, s11;
	[sflag:s3] =	ssyncset.done $0x0  }
0xb: {  	s8 =	sadd.s32 s9, s8;
	s9 =	smax.u32 s31, $0x1;
	[sflag:s3] =	ssyncadd.s32 $0xFFFFFF80  }
0xc: {  	[tilespmem:s6], [sflag:$0x1] =	stream.indirect.gather [hbm4b:s5+s6], $0x80, s2, s6, $0xb8;
	[tilespmem:$0x4080] =	vst v63  }
0xd: {  	p0 =	sne.s32 s9, $0x1;
	_ =	swait.ge [sflag:s7], $0x4000  }
.Ltmp0:
0xe: {  	[sflag:s7] =	ssyncset.done $0x0;
	(pc) =	sbr.rel @!p0 .LBB2_2-.Ltmp0, $4  }
0xf: {  	s8 =	sadd.s32 $0x40800, s8;
	[sflag:s7] =	ssyncadd.s32 $0xFFFFC000  }
0x10: {  	[hbm4b:s8+s2] =	stream.linear.scatter [tilespmem:s6], [sflag:$0x2], $0x4000, $0x38;
	[tilespmem:$0x4080] =	vst v63  }
0x11: {  	_ =	swait.ge [sflag:s3], $0x4000  }
0x12: {  	s9 =	sadd.s32 $0xFFFFFFFF, s9;
	[sflag:s3] =	ssyncset.done $0x0  }
.LBB2_1:
0x13: {  	p0 =	sne.s32 s9, $0x1;
	s9 =	sadd.s32 $0xFFFFFFFF, s9;
	[sflag:s3] =	ssyncadd.s32 $0xFFFFC000  }
0x14: {  	[tilespmem:s2], [sflag:$0x2] =	stream.linear.gather [hbm4b:s4+s2], $0x80, $0x38;
	[tilespmem:$0x4080] =	vst v63  }
0x15: {  	_ =	swait.ge [sflag:s3], $0x80  }
0x16: {  	[sflag:s3] =	ssyncset.done $0x0  }
0x17: {  	[sflag:s3] =	ssyncadd.s32 $0xFFFFFF80  }
0x18: {  	[tilespmem:s6], [sflag:$0x1] =	stream.indirect.gather [hbm4b:s5+s6], $0x80, s2, s6, $0xb8;
	[tilespmem:$0x4080] =	vst v63  }
0x19: {  	_ =	swait.ge [sflag:s7], $0x4000  }
.Ltmp1:
0x1a: {  	[sflag:s7] =	ssyncset.done $0x0;
	(pc) =	sbr.rel @p0 .LBB2_1-.Ltmp1, $4  }
0x1b: {  	[sflag:s7] =	ssyncadd.s32 $0xFFFFC000  }
0x1c: {  	[hbm4b:s8+s2] =	stream.linear.scatter [tilespmem:s6], [sflag:$0x2], $0x4000, $0x38;
	[tilespmem:$0x4080] =	vst v63  }
0x1d: {  	_ =	swait.ge [sflag:s3], $0x4000  }
0x1e: {  	[sflag:s3] =	ssyncset.done $0x0  }
.LBB2_2:
0x1f: {  	[sflag:s3] =	ssyncadd.s32 $0xFFFFC000  }
0x20: {  	_ =	sfence.sel $0x180000  }
0x21: {  	[bflag:$0x0] =	sbarrier.arrive $0xFFFF  }
0x22: {  	p0 =	sne.s32 s0, $0x0;
	_ =	strace $0x90000047  }
0x23: {  	s0 =	sadd.s32 @!p0 $0x100000, s1;
	[bflag:$0x2] =	sbarrier.arrive $0xFFFF  }
0x24: {  	[sflag:s0] =	ssyncadd.tile.s32 @!p0 $0x1;
	_ =	shalt  }
.Lfunc_end2:
_tile_overlayer_lowered:
.L_overlay_start_2:
0x25: {  	(tag) =	ssettag $0x2  }
0x26: {  	s0 =	rddreg [dreg:$0x0];
	s2 =	stileid.u32  }
0x27: {  	s1 =	rddreg [dreg:$0x1];
	p0 =	sne.s32 s2, $0x0  }
0x28: {  	s3 =	rddreg [dreg:$0x2];
	[bflag:$0x3] =	sbarrier.arrive $0xFFFF;
	s2 =	simm.s32 @!p0 $0x1C02  }
0x29: {  	[timem:s3], [sflag:s2] =	dma.local @!p0 [hbm:s0], s1  }
0x2a: {  	s0 =	simm.s32 @!p0 $0x2  }
0x2b: {  	_ =	swait.ge @!p0 [sflag:s0], s1  }
0x2c: {  	s1 =	ssub.s32 @!p0 $0x0, s1;
	[sflag:s0] =	ssyncset.done @!p0 $0x0  }
0x2d: {  	[sflag:s0] =	ssyncadd.s32 @!p0 s1  }
0x2e: {  	[bflag:$0x3] =	sbarrier.arrive $0xFFFF  }
0x2f: {  	_ =	shalt  }

</sc_bundles>
